<compile_context>
chip_gen: v7x
topology: tpu7x:2x2x1
jax: 0.10.2.dev20260603
libtpu: 0.0.44.dev20260713+nightly
codegen_flags: <defaults>
</compile_context>

<pallas_src>
import functools

import jax
import jax.numpy as jnp
from jax import lax
from jax.experimental import pallas as pl
from jax.experimental.pallas import tpu as pltpu
from jax.experimental.pallas import tpu_sc as plsc

VOCAB = 30522
EMBED_DIM = 128
NUM_CLASS = 3
BATCH = 16384
SEQ = 200

VPAD = 30720
VBLK = 15360

NC = 2
NS = 16
NW = NC * NS
BPW = BATCH // NW
CHUNK = 128
NCH = BPW // CHUNK
LG = CHUNK // 16
UNROLL = 8


def _proj_body(w_ref, b_ref, emb_ref, q01_ref, p2_ref):
    scale = jnp.float32(1.0 / SEQ)
    d = lax.dot_general(
        w_ref[...] * scale, emb_ref[...], (((1,), (1,)), ((), ())),
        preferred_element_type=jnp.float32) + b_ref[...] * scale
    r0 = lax.bitcast_convert_type(d[0:1], jnp.uint32) + jnp.uint32(0x8000)
    r1 = lax.bitcast_convert_type(d[1:2], jnp.uint32) + jnp.uint32(0x8000)
    q = (r0 >> 16) | (r1 & jnp.uint32(0xFFFF0000))
    q01_ref[...] = lax.bitcast_convert_type(q, jnp.int32)
    p2_ref[...] = d[2:3]


def _project_table(w8, b8, emb_table):
    return pl.pallas_call(
        _proj_body,
        grid=(VPAD // VBLK,),
        in_specs=[
            pl.BlockSpec((NUM_CLASS, EMBED_DIM), lambda i: (0, 0)),
            pl.BlockSpec((NUM_CLASS, 1), lambda i: (0, 0)),
            pl.BlockSpec((VBLK, EMBED_DIM), lambda i: (i, 0)),
        ],
        out_specs=[
            pl.BlockSpec((1, VBLK), lambda i: (0, i)),
            pl.BlockSpec((1, VBLK), lambda i: (0, i)),
        ],
        out_shape=[
            jax.ShapeDtypeStruct((1, VPAD), jnp.int32),
            jax.ShapeDtypeStruct((1, VPAD), jnp.float32),
        ],
    )(w8, b8, emb_table)


def _sc_body(q01_hbm, p2_hbm, texts_hbm, out_hbm,
             t01, t2, ib0, ib1, o0, o1, o2, s0, s1, st):
    cid = lax.axis_index("c")
    sid = lax.axis_index("s")
    wid = sid * NC + cid
    base = wid * BPW

    ibufs = (ib0, ib1)
    sems = (s0, s1)

    def fetch(k):
        return pltpu.async_copy(
            texts_hbm.at[:, pl.ds(base + k * CHUNK, CHUNK)],
            ibufs[k % 2], sems[k % 2])

    pending = fetch(0)
    pltpu.async_copy(q01_hbm.at[0], t01, st).wait()
    pltpu.async_copy(p2_hbm.at[0], t2, st).wait()

    zero = jnp.zeros((16,), jnp.float32)
    hi = jnp.full((16,), -65536, jnp.int32)

    for k in range(NCH):
        nxt = fetch(k + 1) if k + 1 < NCH else None
        pending.wait()
        pending = nxt
        ib = ibufs[k % 2]

        def lgroup(l, _):
            col = l * 16

            @plsc.parallel_loop(0, SEQ, UNROLL, carry=(zero,) * 6)
            def _accs(tb, accs):
                a0, a1, a2, c0, c1, c2 = accs
                for u in range(UNROLL):
                    ix = ib[tb + u, pl.ds(col, 16)]
                    q = plsc.load_gather(t01, [ix])
                    v2 = plsc.load_gather(t2, [ix])
                    v0 = plsc.bitcast(lax.shift_left(q, 16), jnp.float32)
                    v1 = plsc.bitcast(lax.bitwise_and(q, hi), jnp.float32)
                    if u % 2 == 0:
                        a0 = a0 + v0
                        a1 = a1 + v1
                        a2 = a2 + v2
                    else:
                        c0 = c0 + v0
                        c1 = c1 + v1
                        c2 = c2 + v2
                return a0, a1, a2, c0, c1, c2

            a0, a1, a2, c0, c1, c2 = _accs

            o0[0, pl.ds(k * CHUNK + col, 16)] = a0 + c0
            o1[0, pl.ds(k * CHUNK + col, 16)] = a1 + c1
            o2[0, pl.ds(k * CHUNK + col, 16)] = a2 + c2
            return 0

        lax.fori_loop(0, LG, lgroup, 0)

    pltpu.sync_copy(o0, out_hbm.at[pl.ds(0, 1), pl.ds(base, BPW)])
    pltpu.sync_copy(o1, out_hbm.at[pl.ds(1, 1), pl.ds(base, BPW)])
    pltpu.sync_copy(o2, out_hbm.at[pl.ds(2, 1), pl.ds(base, BPW)])


@functools.cache
def _sc_gather():
    return pl.kernel(
        _sc_body,
        out_type=jax.ShapeDtypeStruct((NUM_CLASS, BATCH), jnp.float32),
        mesh=plsc.VectorSubcoreMesh(core_axis_name="c", subcore_axis_name="s",
                                    num_cores=NC, num_subcores=NS),
        compiler_params=pltpu.CompilerParams(needs_layout_passes=False),
        scratch_types=[
            pltpu.VMEM((VPAD,), jnp.int32),
            pltpu.VMEM((VPAD,), jnp.float32),
            pltpu.VMEM((SEQ, CHUNK), jnp.int32),
            pltpu.VMEM((SEQ, CHUNK), jnp.int32),
            pltpu.VMEM((1, BPW), jnp.float32),
            pltpu.VMEM((1, BPW), jnp.float32),
            pltpu.VMEM((1, BPW), jnp.float32),
            pltpu.SemaphoreType.DMA,
            pltpu.SemaphoreType.DMA,
            pltpu.SemaphoreType.DMA,
        ],
    )


def kernel(texts, emb_table, lin_w, lin_b):
    q01, p2 = _project_table(lin_w, lin_b.reshape(NUM_CLASS, 1), emb_table)
    out = _sc_gather()(q01, p2, texts.T)
    return out.T

# --- scband reference (transcript-rebuilt; emitter-appended) ---
"""Pipeline reference for scband-deep-averaging-network-17566416241454 (READ-ONLY COPY).

The authoritative reference and input builder live on the scoring server;
editing this copy changes nothing except your own understanding.
"""

import jax, jax.numpy as jnp
import numpy as np

VOCAB = 30522
EMBED_DIM = 128
NUM_CLASS = 3
BATCH = 16384
SEQ = 200

def setup_inputs(seed: int = 0) -> dict:
    key = jax.random.key(seed)
    k1, k2, k3 = jax.random.split(key, 3)
    texts = jax.random.randint(k1, (BATCH, SEQ), 0, VOCAB, dtype=jnp.int64 if jax.config.jax_enable_x64 else jnp.int32).astype(jnp.int32)
    # EmbeddingBag weight init: uniform(-0.5, 0.5)
    emb_table = jax.random.uniform(k2, (VOCAB, EMBED_DIM), dtype=jnp.float32, minval=-0.5, maxval=0.5)
    # Linear weight init: uniform(-0.5, 0.5); bias zero
    lin_w = jax.random.uniform(k3, (NUM_CLASS, EMBED_DIM), dtype=jnp.float32, minval=-0.5, maxval=0.5)
    lin_b = jnp.zeros((NUM_CLASS,), dtype=jnp.float32)
    return {"texts": texts, "emb_table": emb_table, "lin_w": lin_w, "lin_b": lin_b}

def reference(texts, emb_table, lin_w, lin_b):
    # nn.EmbeddingBag default mode='mean' on 2D input [B, L]:
    # gather rows then mean over the bag (sequence) dimension.
    gathered = jnp.take(emb_table, texts, axis=0)          # [B, L, D]
    embedded = jnp.mean(gathered, axis=1)                  # [B, D]
    # Dropout is identity at inference (eval mode)
    dropped = embedded
    logits = dropped @ lin_w.T + lin_b                     # [B, num_class]
    return logits

if __name__ == "__main__":
    import jax
    _d = setup_inputs()
    print(jax.jit(kernel)(*tuple(_d.values())))

</pallas_src>

<mosaic_0001>
#map = affine_map<(d0, d1) -> (0, 0)>
module attributes {stable_mosaic.version = 14 : i64} {
  func.func @_sc_body(%arg0: i32, %arg1: i32, %arg2: memref<1x30720xi32, #tpu.memory_space<hbm>>, %arg3: memref<1x30720xf32, #tpu.memory_space<hbm>>, %arg4: memref<200x16384xi32, #tpu.memory_space<hbm>>, %arg5: memref<3x16384xf32, #tpu.memory_space<hbm>>, %arg6: memref<30720xi32, #tpu.memory_space<vmem>>, %arg7: memref<30720xf32, #tpu.memory_space<vmem>>, %arg8: memref<200x128xi32, #tpu.memory_space<vmem>>, %arg9: memref<200x128xi32, #tpu.memory_space<vmem>>, %arg10: memref<1x512xf32, #tpu.memory_space<vmem>>, %arg11: memref<1x512xf32, #tpu.memory_space<vmem>>, %arg12: memref<1x512xf32, #tpu.memory_space<vmem>>, %arg13: memref<!tpu.dma_semaphore, #tpu.memory_space<semaphore_mem>>, %arg14: memref<!tpu.dma_semaphore, #tpu.memory_space<semaphore_mem>>, %arg15: memref<!tpu.dma_semaphore, #tpu.memory_space<semaphore_mem>>) attributes {dimension_semantics = [#tpu.dimension_semantics<core_parallel>, #tpu.dimension_semantics<subcore_parallel>], iteration_bounds = array<i64: 2, 16>, scalar_prefetch = 0 : i64, scratch_operands = 10 : i64, tpu.core_type = #tpu.core_type<sc_vector_subcore>, window_params = [{transform_indices = #map}, {transform_indices = #map}, {transform_indices = #map}, {transform_indices = #map}]} {
    %mul3A = arith.constant 2 : i32
    %mul3A_0 = arith.muli %arg1, %mul3A : i32
    %add3A = arith.addi %mul3A_0, %arg0 : i32
    %mul3A_1 = arith.constant 512 : i32
    %mul3A_2 = arith.muli %add3A, %mul3A_1 : i32
    %add3A_3 = arith.constant 0 : i32
    %add3A_4 = arith.addi %mul3A_2, %add3A_3 : i32
    %dma_start3A = arith.constant 0 : i32
    %dma_start3A_5 = tpu.memref_slice %arg4[%dma_start3A, %add3A_4] : memref<200x16384xi32, #tpu.memory_space<hbm>> -> memref<200x128xi32, #tpu.memory_space<hbm>>
    %dma_start3A_6 = arith.constant 0 : i32
    %dma_start3A_7 = tpu.memref_slice %arg4[%dma_start3A_6, %add3A_4] : memref<200x16384xi32, #tpu.memory_space<hbm>> -> memref<200x128xi32, #tpu.memory_space<hbm>>
    tpu.enqueue_dma source(%dma_start3A_7 : memref<200x128xi32, #tpu.memory_space<hbm>>) target(%arg8 : memref<200x128xi32, #tpu.memory_space<vmem>>) target_semaphore(%arg13 : memref<!tpu.dma_semaphore, #tpu.memory_space<semaphore_mem>>)
    %dma_start3A_8 = arith.constant 0 : i32
    %dma_start3A_9 = arith.constant 0 : i32
    %dma_start3A_10 = tpu.memref_slice %arg2[%dma_start3A_8, %dma_start3A_9] : memref<1x30720xi32, #tpu.memory_space<hbm>> -> memref<1x30720xi32, #tpu.memory_space<hbm>>
    %dma_start3A_11 = tpu.memref_squeeze %dma_start3A_10 : memref<1x30720xi32, #tpu.memory_space<hbm>> -> memref<30720xi32, #tpu.memory_space<hbm>>
    %dma_start3A_12 = arith.constant 0 : i32
    %dma_start3A_13 = tpu.memref_slice %arg2[%dma_start3A_8, %dma_start3A_12] : memref<1x30720xi32, #tpu.memory_space<hbm>> -> memref<1x30720xi32, #tpu.memory_space<hbm>>
    %dma_start3A_14 = tpu.memref_squeeze %dma_start3A_13 : memref<1x30720xi32, #tpu.memory_space<hbm>> -> memref<30720xi32, #tpu.memory_space<hbm>>
    tpu.enqueue_dma source(%dma_start3A_14 : memref<30720xi32, #tpu.memory_space<hbm>>) target(%arg6 : memref<30720xi32, #tpu.memory_space<vmem>>) target_semaphore(%arg15 : memref<!tpu.dma_semaphore, #tpu.memory_space<semaphore_mem>>)
    %dma_wait3A = arith.constant 0 : i32
    %dma_wait3A_15 = arith.constant 0 : i32
    %dma_wait3A_16 = tpu.memref_slice %arg2[%dma_wait3A, %dma_wait3A_15] : memref<1x30720xi32, #tpu.memory_space<hbm>> -> memref<1x30720xi32, #tpu.memory_space<hbm>>
    %dma_wait3A_17 = tpu.memref_squeeze %dma_wait3A_16 : memref<1x30720xi32, #tpu.memory_space<hbm>> -> memref<30720xi32, #tpu.memory_space<hbm>>
    %dma_wait3A_18 = arith.constant 0 : i32
    %dma_wait3A_19 = tpu.memref_slice %arg2[%dma_wait3A, %dma_wait3A_18] : memref<1x30720xi32, #tpu.memory_space<hbm>> -> memref<1x30720xi32, #tpu.memory_space<hbm>>
    %dma_wait3A_20 = tpu.memref_squeeze %dma_wait3A_19 : memref<1x30720xi32, #tpu.memory_space<hbm>> -> memref<30720xi32, #tpu.memory_space<hbm>>
    tpu.wait_dma2 semaphore(%arg15 : memref<!tpu.dma_semaphore, #tpu.memory_space<semaphore_mem>>) src(%dma_wait3A_20 : memref<30720xi32, #tpu.memory_space<hbm>>) dst(%arg6 : memref<30720xi32, #tpu.memory_space<vmem>>)
    %dma_start3A_21 = arith.constant 0 : i32
    %dma_start3A_22 = arith.constant 0 : i32
    %dma_start3A_23 = tpu.memref_slice %arg3[%dma_start3A_21, %dma_start3A_22] : memref<1x30720xf32, #tpu.memory_space<hbm>> -> memref<1x30720xf32, #tpu.memory_space<hbm>>
    %dma_start3A_24 = tpu.memref_squeeze %dma_start3A_23 : memref<1x30720xf32, #tpu.memory_space<hbm>> -> memref<30720xf32, #tpu.memory_space<hbm>>
    %dma_start3A_25 = arith.constant 0 : i32
    %dma_start3A_26 = tpu.memref_slice %arg3[%dma_start3A_21, %dma_start3A_25] : memref<1x30720xf32, #tpu.memory_space<hbm>> -> memref<1x30720xf32, #tpu.memory_space<hbm>>
    %dma_start3A_27 = tpu.memref_squeeze %dma_start3A_26 : memref<1x30720xf32, #tpu.memory_space<hbm>> -> memref<30720xf32, #tpu.memory_space<hbm>>
    tpu.enqueue_dma source(%dma_start3A_27 : memref<30720xf32, #tpu.memory_space<hbm>>) target(%arg7 : memref<30720xf32, #tpu.memory_space<vmem>>) target_semaphore(%arg15 : memref<!tpu.dma_semaphore, #tpu.memory_space<semaphore_mem>>)
    %dma_wait3A_28 = arith.constant 0 : i32
    %dma_wait3A_29 = arith.constant 0 : i32
    %dma_wait3A_30 = tpu.memref_slice %arg3[%dma_wait3A_28, %dma_wait3A_29] : memref<1x30720xf32, #tpu.memory_space<hbm>> -> memref<1x30720xf32, #tpu.memory_space<hbm>>
    %dma_wait3A_31 = tpu.memref_squeeze %dma_wait3A_30 : memref<1x30720xf32, #tpu.memory_space<hbm>> -> memref<30720xf32, #tpu.memory_space<hbm>>
    %dma_wait3A_32 = arith.constant 0 : i32
    %dma_wait3A_33 = tpu.memref_slice %arg3[%dma_wait3A_28, %dma_wait3A_32] : memref<1x30720xf32, #tpu.memory_space<hbm>> -> memref<1x30720xf32, #tpu.memory_space<hbm>>
    %dma_wait3A_34 = tpu.memref_squeeze %dma_wait3A_33 : memref<1x30720xf32, #tpu.memory_space<hbm>> -> memref<30720xf32, #tpu.memory_space<hbm>>
    tpu.wait_dma2 semaphore(%arg15 : memref<!tpu.dma_semaphore, #tpu.memory_space<semaphore_mem>>) src(%dma_wait3A_34 : memref<30720xf32, #tpu.memory_space<hbm>>) dst(%arg7 : memref<30720xf32, #tpu.memory_space<vmem>>)
    %broadcast_in_dim3A = arith.constant 0.000000e+00 : f32
    %broadcast_in_dim3A_35 = vector.broadcast %broadcast_in_dim3A : f32 to vector<16xf32>
    %broadcast_in_dim3A_36 = arith.constant -65536 : i32
    %broadcast_in_dim3A_37 = vector.broadcast %broadcast_in_dim3A_36 : i32 to vector<16xi32>
    %add3A_38 = arith.constant 128 : i32
    %add3A_39 = arith.addi %mul3A_2, %add3A_38 : i32
    %dma_start3A_40 = arith.constant 0 : i32
    %dma_start3A_41 = tpu.memref_slice %arg4[%dma_start3A_40, %add3A_39] : memref<200x16384xi32, #tpu.memory_space<hbm>> -> memref<200x128xi32, #tpu.memory_space<hbm>>
    %dma_start3A_42 = arith.constant 0 : i32
    %dma_start3A_43 = tpu.memref_slice %arg4[%dma_start3A_42, %add3A_39] : memref<200x16384xi32, #tpu.memory_space<hbm>> -> memref<200x128xi32, #tpu.memory_space<hbm>>
    tpu.enqueue_dma source(%dma_start3A_43 : memref<200x128xi32, #tpu.memory_space<hbm>>) target(%arg9 : memref<200x128xi32, #tpu.memory_space<vmem>>) target_semaphore(%arg14 : memref<!tpu.dma_semaphore, #tpu.memory_space<semaphore_mem>>)
    %dma_wait3A_44 = arith.constant 0 : i32
    %dma_wait3A_45 = tpu.memref_slice %arg4[%dma_wait3A_44, %add3A_4] : memref<200x16384xi32, #tpu.memory_space<hbm>> -> memref<200x128xi32, #tpu.memory_space<hbm>>
    %dma_wait3A_46 = arith.constant 0 : i32
    %dma_wait3A_47 = tpu.memref_slice %arg4[%dma_wait3A_46, %add3A_4] : memref<200x16384xi32, #tpu.memory_space<hbm>> -> memref<200x128xi32, #tpu.memory_space<hbm>>
    tpu.wait_dma2 semaphore(%arg13 : memref<!tpu.dma_semaphore, #tpu.memory_space<semaphore_mem>>) src(%dma_wait3A_47 : memref<200x128xi32, #tpu.memory_space<hbm>>) dst(%arg8 : memref<200x128xi32, #tpu.memory_space<vmem>>)
    %scan3A = arith.constant 0 : i32
    %scan3A_48 = arith.constant 0 : i32
    %scan3A_49 = arith.constant 8 : i32
    %scan3A_50 = arith.addi %scan3A_48, %scan3A_49 : i32
    %scan3A_51 = arith.constant 1 : i32
    %scan3A_52 = scf.for %scan3A_99 = %scan3A_48 to %scan3A_50 step %scan3A_51 iter_args(%scan3A_100 = %scan3A) -> (i32)  : i32 {
      %mul3A_101 = arith.constant 16 : i32
      %mul3A_102 = arith.muli %scan3A_99, %mul3A_101 : i32
      %parallel_loop3A = arith.constant 0 : i32
      %parallel_loop3A_103 = arith.constant 200 : i32
      %parallel_loop3A_104 = arith.constant 8 : i32
      %parallel_loop3A_105:6 = scf.for %parallel_loop3A_127 = %parallel_loop3A to %parallel_loop3A_103 step %parallel_loop3A_104 iter_args(%parallel_loop3A_128 = %broadcast_in_dim3A_35, %parallel_loop3A_129 = %broadcast_in_dim3A_35, %parallel_loop3A_130 = %broadcast_in_dim3A_35, %parallel_loop3A_131 = %broadcast_in_dim3A_35, %parallel_loop3A_132 = %broadcast_in_dim3A_35, %parallel_loop3A_133 = %broadcast_in_dim3A_35) -> (vector<16xf32>, vector<16xf32>, vector<16xf32>, vector<16xf32>, vector<16xf32>, vector<16xf32>)  : i32 {
        %parallel_loop3A_134 = arith.constant 0 : i32
        %parallel_loop3A_135 = arith.addi %parallel_loop3A_127, %parallel_loop3A_134 : i32
        %parallel_loop3A_136 = arith.index_cast %parallel_loop3A_135 : i32 to index
        %parallel_loop3A_137 = arith.index_cast %mul3A_102 : i32 to index
        %parallel_loop3A_138 = tpu.vector_load %arg8[%parallel_loop3A_136, %parallel_loop3A_137] {strides = array<i32>} : memref<200x128xi32, #tpu.memory_space<vmem>>, vector<16xi32>,
        %parallel_loop3A_139 = tpu.vector_load_idx %arg6[%parallel_loop3A_138] : memref<30720xi32, #tpu.memory_space<vmem>>[vector<16xi32>], vector<16xi32>,
        %parallel_loop3A_140 = tpu.vector_load_idx %arg7[%parallel_loop3A_138] : memref<30720xf32, #tpu.memory_space<vmem>>[vector<16xi32>], vector<16xf32>,
        %parallel_loop3A_141 = arith.constant 16 : i32
        %parallel_loop3A_142 = vector.broadcast %parallel_loop3A_141 : i32 to vector<16xi32>
        %parallel_loop3A_143 = arith.shli %parallel_loop3A_139, %parallel_loop3A_142 : vector<16xi32>
        %parallel_loop3A_144 = vector.bitcast %parallel_loop3A_143 : vector<16xi32> to vector<16xf32>
        %parallel_loop3A_145 = arith.andi %parallel_loop3A_139, %broadcast_in_dim3A_37 : vector<16xi32>
        %parallel_loop3A_146 = vector.bitcast %parallel_loop3A_145 : vector<16xi32> to vector<16xf32>
        %parallel_loop3A_147 = arith.addf %parallel_loop3A_128, %parallel_loop3A_144 : vector<16xf32>
        %parallel_loop3A_148 = arith.addf %parallel_loop3A_129, %parallel_loop3A_146 : vector<16xf32>
        %parallel_loop3A_149 = arith.addf %parallel_loop3A_130, %parallel_loop3A_140 : vector<16xf32>
        %parallel_loop3A_150 = arith.constant 1 : i32
        %parallel_loop3A_151 = arith.addi %parallel_loop3A_127, %parallel_loop3A_150 : i32
        %parallel_loop3A_152 = arith.index_cast %parallel_loop3A_151 : i32 to index
        %parallel_loop3A_153 = arith.index_cast %mul3A_102 : i32 to index
        %parallel_loop3A_154 = tpu.vector_load %arg8[%parallel_loop3A_152, %parallel_loop3A_153] {strides = array<i32>} : memref<200x128xi32, #tpu.memory_space<vmem>>, vector<16xi32>,
        %parallel_loop3A_155 = tpu.vector_load_idx %arg6[%parallel_loop3A_154] : memref<30720xi32, #tpu.memory_space<vmem>>[vector<16xi32>], vector<16xi32>,
        %parallel_loop3A_156 = tpu.vector_load_idx %arg7[%parallel_loop3A_154] : memref<30720xf32, #tpu.memory_space<vmem>>[vector<16xi32>], vector<16xf32>,
        %parallel_loop3A_157 = arith.constant 16 : i32
        %parallel_loop3A_158 = vector.broadcast %parallel_loop3A_157 : i32 to vector<16xi32>
        %parallel_loop3A_159 = arith.shli %parallel_loop3A_155, %parallel_loop3A_158 : vector<16xi32>
        %parallel_loop3A_160 = vector.bitcast %parallel_loop3A_159 : vector<16xi32> to vector<16xf32>
        %parallel_loop3A_161 = arith.andi %parallel_loop3A_155, %broadcast_in_dim3A_37 : vector<16xi32>
        %parallel_loop3A_162 = vector.bitcast %parallel_loop3A_161 : vector<16xi32> to vector<16xf32>
        %parallel_loop3A_163 = arith.addf %parallel_loop3A_131, %parallel_loop3A_160 : vector<16xf32>
        %parallel_loop3A_164 = arith.addf %parallel_loop3A_132, %parallel_loop3A_162 : vector<16xf32>
        %parallel_loop3A_165 = arith.addf %parallel_loop3A_133, %parallel_loop3A_156 : vector<16xf32>
        %parallel_loop3A_166 = arith.constant 2 : i32
        %parallel_loop3A_167 = arith.addi %parallel_loop3A_127, %parallel_loop3A_166 : i32
        %parallel_loop3A_168 = arith.index_cast %parallel_loop3A_167 : i32 to index
        %parallel_loop3A_169 = arith.index_cast %mul3A_102 : i32 to index
        %parallel_loop3A_170 = tpu.vector_load %arg8[%parallel_loop3A_168, %parallel_loop3A_169] {strides = array<i32>} : memref<200x128xi32, #tpu.memory_space<vmem>>, vector<16xi32>,
        %parallel_loop3A_171 = tpu.vector_load_idx %arg6[%parallel_loop3A_170] : memref<30720xi32, #tpu.memory_space<vmem>>[vector<16xi32>], vector<16xi32>,
        %parallel_loop3A_172 = tpu.vector_load_idx %arg7[%parallel_loop3A_170] : memref<30720xf32, #tpu.memory_space<vmem>>[vector<16xi32>], vector<16xf32>,
        %parallel_loop3A_173 = arith.constant 16 : i32
        %parallel_loop3A_174 = vector.broadcast %parallel_loop3A_173 : i32 to vector<16xi32>
        %parallel_loop3A_175 = arith.shli %parallel_loop3A_171, %parallel_loop3A_174 : vector<16xi32>
        %parallel_loop3A_176 = vector.bitcast %parallel_loop3A_175 : vector<16xi32> to vector<16xf32>
        %parallel_loop3A_177 = arith.andi %parallel_loop3A_171, %broadcast_in_dim3A_37 : vector<16xi32>
        %parallel_loop3A_178 = vector.bitcast %parallel_loop3A_177 : vector<16xi32> to vector<16xf32>
        %parallel_loop3A_179 = arith.addf %parallel_loop3A_147, %parallel_loop3A_176 : vector<16xf32>
        %parallel_loop3A_180 = arith.addf %parallel_loop3A_148, %parallel_loop3A_178 : vector<16xf32>
        %parallel_loop3A_181 = arith.addf %parallel_loop3A_149, %parallel_loop3A_172 : vector<16xf32>
        %parallel_loop3A_182 = arith.constant 3 : i32
        %parallel_loop3A_183 = arith.addi %parallel_loop3A_127, %parallel_loop3A_182 : i32
        %parallel_loop3A_184 = arith.index_cast %parallel_loop3A_183 : i32 to index
        %parallel_loop3A_185 = arith.index_cast %mul3A_102 : i32 to index
        %parallel_loop3A_186 = tpu.vector_load %arg8[%parallel_loop3A_184, %parallel_loop3A_185] {strides = array<i32>} : memref<200x128xi32, #tpu.memory_space<vmem>>, vector<16xi32>,
        %parallel_loop3A_187 = tpu.vector_load_idx %arg6[%parallel_loop3A_186] : memref<30720xi32, #tpu.memory_space<vmem>>[vector<16xi32>], vector<16xi32>,
        %parallel_loop3A_188 = tpu.vector_load_idx %arg7[%parallel_loop3A_186] : memref<30720xf32, #tpu.memory_space<vmem>>[vector<16xi32>], vector<16xf32>,
        %parallel_loop3A_189 = arith.constant 16 : i32
        %parallel_loop3A_190 = vector.broadcast %parallel_loop3A_189 : i32 to vector<16xi32>
        %parallel_loop3A_191 = arith.shli %parallel_loop3A_187, %parallel_loop3A_190 : vector<16xi32>
        %parallel_loop3A_192 = vector.bitcast %parallel_loop3A_191 : vector<16xi32> to vector<16xf32>
        %parallel_loop3A_193 = arith.andi %parallel_loop3A_187, %broadcast_in_dim3A_37 : vector<16xi32>
        %parallel_loop3A_194 = vector.bitcast %parallel_loop3A_193 : vector<16xi32> to vector<16xf32>
        %parallel_loop3A_195 = arith.addf %parallel_loop3A_163, %parallel_loop3A_192 : vector<16xf32>
        %parallel_loop3A_196 = arith.addf %parallel_loop3A_164, %parallel_loop3A_194 : vector<16xf32>
        %parallel_loop3A_197 = arith.addf %parallel_loop3A_165, %parallel_loop3A_188 : vector<16xf32>
        %parallel_loop3A_198 = arith.constant 4 : i32
        %parallel_loop3A_199 = arith.addi %parallel_loop3A_127, %parallel_loop3A_198 : i32
        %parallel_loop3A_200 = arith.index_cast %parallel_loop3A_199 : i32 to index
        %parallel_loop3A_201 = arith.index_cast %mul3A_102 : i32 to index
        %parallel_loop3A_202 = tpu.vector_load %arg8[%parallel_loop3A_200, %parallel_loop3A_201] {strides = array<i32>} : memref<200x128xi32, #tpu.memory_space<vmem>>, vector<16xi32>,
        %parallel_loop3A_203 = tpu.vector_load_idx %arg6[%parallel_loop3A_202] : memref<30720xi32, #tpu.memory_space<vmem>>[vector<16xi32>], vector<16xi32>,
        %parallel_loop3A_204 = tpu.vector_load_idx %arg7[%parallel_loop3A_202] : memref<30720xf32, #tpu.memory_space<vmem>>[vector<16xi32>], vector<16xf32>,
        %parallel_loop3A_205 = arith.constant 16 : i32
        %parallel_loop3A_206 = vector.broadcast %parallel_loop3A_205 : i32 to vector<16xi32>
        %parallel_loop3A_207 = arith.shli %parallel_loop3A_203, %parallel_loop3A_206 : vector<16xi32>
        %parallel_loop3A_208 = vector.bitcast %parallel_loop3A_207 : vector<16xi32> to vector<16xf32>
        %parallel_loop3A_209 = arith.andi %parallel_loop3A_203, %broadcast_in_dim3A_37 : vector<16xi32>
        %parallel_loop3A_210 = vector.bitcast %parallel_loop3A_209 : vector<16xi32> to vector<16xf32>
        %parallel_loop3A_211 = arith.addf %parallel_loop3A_179, %parallel_loop3A_208 : vector<16xf32>
        %parallel_loop3A_212 = arith.addf %parallel_loop3A_180, %parallel_loop3A_210 : vector<16xf32>
        %parallel_loop3A_213 = arith.addf %parallel_loop3A_181, %parallel_loop3A_204 : vector<16xf32>
        %parallel_loop3A_214 = arith.constant 5 : i32
        %parallel_loop3A_215 = arith.addi %parallel_loop3A_127, %parallel_loop3A_214 : i32
        %parallel_loop3A_216 = arith.index_cast %parallel_loop3A_215 : i32 to index
        %parallel_loop3A_217 = arith.index_cast %mul3A_102 : i32 to index
        %parallel_loop3A_218 = tpu.vector_load %arg8[%parallel_loop3A_216, %parallel_loop3A_217] {strides = array<i32>} : memref<200x128xi32, #tpu.memory_space<vmem>>, vector<16xi32>,
        %parallel_loop3A_219 = tpu.vector_load_idx %arg6[%parallel_loop3A_218] : memref<30720xi32, #tpu.memory_space<vmem>>[vector<16xi32>], vector<16xi32>,
        %parallel_loop3A_220 = tpu.vector_load_idx %arg7[%parallel_loop3A_218] : memref<30720xf32, #tpu.memory_space<vmem>>[vector<16xi32>], vector<16xf32>,
        %parallel_loop3A_221 = arith.constant 16 : i32
        %parallel_loop3A_222 = vector.broadcast %parallel_loop3A_221 : i32 to vector<16xi32>
        %parallel_loop3A_223 = arith.shli %parallel_loop3A_219, %parallel_loop3A_222 : vector<16xi32>
        %parallel_loop3A_224 = vector.bitcast %parallel_loop3A_223 : vector<16xi32> to vector<16xf32>
        %parallel_loop3A_225 = arith.andi %parallel_loop3A_219, %broadcast_in_dim3A_37 : vector<16xi32>
        %parallel_loop3A_226 = vector.bitcast %parallel_loop3A_225 : vector<16xi32> to vector<16xf32>
        %parallel_loop3A_227 = arith.addf %parallel_loop3A_195, %parallel_loop3A_224 : vector<16xf32>
        %parallel_loop3A_228 = arith.addf %parallel_loop3A_196, %parallel_loop3A_226 : vector<16xf32>
        %parallel_loop3A_229 = arith.addf %parallel_loop3A_197, %parallel_loop3A_220 : vector<16xf32>
        %parallel_loop3A_230 = arith.constant 6 : i32
        %parallel_loop3A_231 = arith.addi %parallel_loop3A_127, %parallel_loop3A_230 : i32
        %parallel_loop3A_232 = arith.index_cast %parallel_loop3A_231 : i32 to index
        %parallel_loop3A_233 = arith.index_cast %mul3A_102 : i32 to index
        %parallel_loop3A_234 = tpu.vector_load %arg8[%parallel_loop3A_232, %parallel_loop3A_233] {strides = array<i32>} : memref<200x128xi32, #tpu.memory_space<vmem>>, vector<16xi32>,
        %parallel_loop3A_235 = tpu.vector_load_idx %arg6[%parallel_loop3A_234] : memref<30720xi32, #tpu.memory_space<vmem>>[vector<16xi32>], vector<16xi32>,
        %parallel_loop3A_236 = tpu.vector_load_idx %arg7[%parallel_loop3A_234] : memref<30720xf32, #tpu.memory_space<vmem>>[vector<16xi32>], vector<16xf32>,
        %parallel_loop3A_237 = arith.constant 16 : i32
        %parallel_loop3A_238 = vector.broadcast %parallel_loop3A_237 : i32 to vector<16xi32>
        %parallel_loop3A_239 = arith.shli %parallel_loop3A_235, %parallel_loop3A_238 : vector<16xi32>
        %parallel_loop3A_240 = vector.bitcast %parallel_loop3A_239 : vector<16xi32> to vector<16xf32>
        %parallel_loop3A_241 = arith.andi %parallel_loop3A_235, %broadcast_in_dim3A_37 : vector<16xi32>
        %parallel_loop3A_242 = vector.bitcast %parallel_loop3A_241 : vector<16xi32> to vector<16xf32>
        %parallel_loop3A_243 = arith.addf %parallel_loop3A_211, %parallel_loop3A_240 : vector<16xf32>
        %parallel_loop3A_244 = arith.addf %parallel_loop3A_212, %parallel_loop3A_242 : vector<16xf32>
        %parallel_loop3A_245 = arith.addf %parallel_loop3A_213, %parallel_loop3A_236 : vector<16xf32>
        %parallel_loop3A_246 = arith.constant 7 : i32
        %parallel_loop3A_247 = arith.addi %parallel_loop3A_127, %parallel_loop3A_246 : i32
        %parallel_loop3A_248 = arith.index_cast %parallel_loop3A_247 : i32 to index
        %parallel_loop3A_249 = arith.index_cast %mul3A_102 : i32 to index
        %parallel_loop3A_250 = tpu.vector_load %arg8[%parallel_loop3A_248, %parallel_loop3A_249] {strides = array<i32>} : memref<200x128xi32, #tpu.memory_space<vmem>>, vector<16xi32>,
        %parallel_loop3A_251 = tpu.vector_load_idx %arg6[%parallel_loop3A_250] : memref<30720xi32, #tpu.memory_space<vmem>>[vector<16xi32>], vector<16xi32>,
        %parallel_loop3A_252 = tpu.vector_load_idx %arg7[%parallel_loop3A_250] : memref<30720xf32, #tpu.memory_space<vmem>>[vector<16xi32>], vector<16xf32>,
        %parallel_loop3A_253 = arith.constant 16 : i32
        %parallel_loop3A_254 = vector.broadcast %parallel_loop3A_253 : i32 to vector<16xi32>
        %parallel_loop3A_255 = arith.shli %parallel_loop3A_251, %parallel_loop3A_254 : vector<16xi32>
        %parallel_loop3A_256 = vector.bitcast %parallel_loop3A_255 : vector<16xi32> to vector<16xf32>
        %parallel_loop3A_257 = arith.andi %parallel_loop3A_251, %broadcast_in_dim3A_37 : vector<16xi32>
        %parallel_loop3A_258 = vector.bitcast %parallel_loop3A_257 : vector<16xi32> to vector<16xf32>
        %parallel_loop3A_259 = arith.addf %parallel_loop3A_227, %parallel_loop3A_256 : vector<16xf32>
        %parallel_loop3A_260 = arith.addf %parallel_loop3A_228, %parallel_loop3A_258 : vector<16xf32>
        %parallel_loop3A_261 = arith.addf %parallel_loop3A_229, %parallel_loop3A_252 : vector<16xf32>
        scf.yield %parallel_loop3A_243, %parallel_loop3A_244, %parallel_loop3A_245, %parallel_loop3A_259, %parallel_loop3A_260, %parallel_loop3A_261 : vector<16xf32>, vector<16xf32>, vector<16xf32>, vector<16xf32>, vector<16xf32>, vector<16xf32>
      } {sc.loop_unroll_factor = 1 : i64, sc.parallel_access}
      %add3A_106 = arith.addf %parallel_loop3A_105#0, %parallel_loop3A_105#3 : vector<16xf32>
      %add3A_107 = arith.constant 0 : i32
      %add3A_108 = arith.addi %add3A_107, %mul3A_102 : i32
      %swap3A = arith.constant 0 : i32
      %swap3A_109 = arith.index_cast %swap3A : i32 to index
      %swap3A_110 = arith.index_cast %add3A_108 : i32 to index
      %swap3A_111 = tpu.vector_load %arg10[%swap3A_109, %swap3A_110] {strides = array<i32>} : memref<1x512xf32, #tpu.memory_space<vmem>>, vector<16xf32>,
      tpu.vector_store %arg10[%swap3A_109, %swap3A_110], %add3A_106 {strides = array<i32>} : memref<1x512xf32, #tpu.memory_space<vmem>>, vector<16xf32>,
      %add3A_112 = arith.addf %parallel_loop3A_105#1, %parallel_loop3A_105#4 : vector<16xf32>
      %add3A_113 = arith.constant 0 : i32
      %add3A_114 = arith.addi %add3A_113, %mul3A_102 : i32
      %swap3A_115 = arith.constant 0 : i32
      %swap3A_116 = arith.index_cast %swap3A_115 : i32 to index
      %swap3A_117 = arith.index_cast %add3A_114 : i32 to index
      %swap3A_118 = tpu.vector_load %arg11[%swap3A_116, %swap3A_117] {strides = array<i32>} : memref<1x512xf32, #tpu.memory_space<vmem>>, vector<16xf32>,
      tpu.vector_store %arg11[%swap3A_116, %swap3A_117], %add3A_112 {strides = array<i32>} : memref<1x512xf32, #tpu.memory_space<vmem>>, vector<16xf32>,
      %add3A_119 = arith.addf %parallel_loop3A_105#2, %parallel_loop3A_105#5 : vector<16xf32>
      %add3A_120 = arith.constant 0 : i32
      %add3A_121 = arith.addi %add3A_120, %mul3A_102 : i32
      %swap3A_122 = arith.constant 0 : i32
      %swap3A_123 = arith.index_cast %swap3A_122 : i32 to index
      %swap3A_124 = arith.index_cast %add3A_121 : i32 to index
      %swap3A_125 = tpu.vector_load %arg12[%swap3A_123, %swap3A_124] {strides = array<i32>} : memref<1x512xf32, #tpu.memory_space<vmem>>, vector<16xf32>,
      tpu.vector_store %arg12[%swap3A_123, %swap3A_124], %add3A_119 {strides = array<i32>} : memref<1x512xf32, #tpu.memory_space<vmem>>, vector<16xf32>,
      %scan3A_126 = arith.constant 0 : i32
      scf.yield %scan3A_126 : i32
    }
    %scan3A_53 = arith.constant 8 : i32
    %add3A_54 = arith.constant 256 : i32
    %add3A_55 = arith.addi %mul3A_2, %add3A_54 : i32
    %dma_start3A_56 = arith.constant 0 : i32
    %dma_start3A_57 = tpu.memref_slice %arg4[%dma_start3A_56, %add3A_55] : memref<200x16384xi32, #tpu.memory_space<hbm>> -> memref<200x128xi32, #tpu.memory_space<hbm>>
    %dma_start3A_58 = arith.constant 0 : i32
    %dma_start3A_59 = tpu.memref_slice %arg4[%dma_start3A_58, %add3A_55] : memref<200x16384xi32, #tpu.memory_space<hbm>> -> memref<200x128xi32, #tpu.memory_space<hbm>>
    tpu.enqueue_dma source(%dma_start3A_59 : memref<200x128xi32, #tpu.memory_space<hbm>>) target(%arg8 : memref<200x128xi32, #tpu.memory_space<vmem>>) target_semaphore(%arg13 : memref<!tpu.dma_semaphore, #tpu.memory_space<semaphore_mem>>)
    %dma_wait3A_60 = arith.constant 0 : i32
    %dma_wait3A_61 = tpu.memref_slice %arg4[%dma_wait3A_60, %add3A_39] : memref<200x16384xi32, #tpu.memory_space<hbm>> -> memref<200x128xi32, #tpu.memory_space<hbm>>
    %dma_wait3A_62 = arith.constant 0 : i32
    %dma_wait3A_63 = tpu.memref_slice %arg4[%dma_wait3A_62, %add3A_39] : memref<200x16384xi32, #tpu.memory_space<hbm>> -> memref<200x128xi32, #tpu.memory_space<hbm>>
    tpu.wait_dma2 semaphore(%arg14 : memref<!tpu.dma_semaphore, #tpu.memory_space<semaphore_mem>>) src(%dma_wait3A_63 : memref<200x128xi32, #tpu.memory_space<hbm>>) dst(%arg9 : memref<200x128xi32, #tpu.memory_space<vmem>>)
    %scan3A_64 = arith.constant 0 : i32
    %scan3A_65 = arith.constant 0 : i32
    %scan3A_66 = arith.constant 8 : i32
    %scan3A_67 = arith.addi %scan3A_65, %scan3A_66 : i32
    %scan3A_68 = arith.constant 1 : i32
    %scan3A_69 = scf.for %scan3A_99 = %scan3A_65 to %scan3A_67 step %scan3A_68 iter_args(%scan3A_100 = %scan3A_64) -> (i32)  : i32 {
      %mul3A_101 = arith.constant 16 : i32
      %mul3A_102 = arith.muli %scan3A_99, %mul3A_101 : i32
      %parallel_loop3A = arith.constant 0 : i32
      %parallel_loop3A_103 = arith.constant 200 : i32
      %parallel_loop3A_104 = arith.constant 8 : i32
      %parallel_loop3A_105:6 = scf.for %parallel_loop3A_127 = %parallel_loop3A to %parallel_loop3A_103 step %parallel_loop3A_104 iter_args(%parallel_loop3A_128 = %broadcast_in_dim3A_35, %parallel_loop3A_129 = %broadcast_in_dim3A_35, %parallel_loop3A_130 = %broadcast_in_dim3A_35, %parallel_loop3A_131 = %broadcast_in_dim3A_35, %parallel_loop3A_132 = %broadcast_in_dim3A_35, %parallel_loop3A_133 = %broadcast_in_dim3A_35) -> (vector<16xf32>, vector<16xf32>, vector<16xf32>, vector<16xf32>, vector<16xf32>, vector<16xf32>)  : i32 {
        %parallel_loop3A_134 = arith.constant 0 : i32
        %parallel_loop3A_135 = arith.addi %parallel_loop3A_127, %parallel_loop3A_134 : i32
        %parallel_loop3A_136 = arith.index_cast %parallel_loop3A_135 : i32 to index
        %parallel_loop3A_137 = arith.index_cast %mul3A_102 : i32 to index
        %parallel_loop3A_138 = tpu.vector_load %arg9[%parallel_loop3A_136, %parallel_loop3A_137] {strides = array<i32>} : memref<200x128xi32, #tpu.memory_space<vmem>>, vector<16xi32>,
        %parallel_loop3A_139 = tpu.vector_load_idx %arg6[%parallel_loop3A_138] : memref<30720xi32, #tpu.memory_space<vmem>>[vector<16xi32>], vector<16xi32>,
        %parallel_loop3A_140 = tpu.vector_load_idx %arg7[%parallel_loop3A_138] : memref<30720xf32, #tpu.memory_space<vmem>>[vector<16xi32>], vector<16xf32>,
        %parallel_loop3A_141 = arith.constant 16 : i32
        %parallel_loop3A_142 = vector.broadcast %parallel_loop3A_141 : i32 to vector<16xi32>
        %parallel_loop3A_143 = arith.shli %parallel_loop3A_139, %parallel_loop3A_142 : vector<16xi32>
        %parallel_loop3A_144 = vector.bitcast %parallel_loop3A_143 : vector<16xi32> to vector<16xf32>
        %parallel_loop3A_145 = arith.andi %parallel_loop3A_139, %broadcast_in_dim3A_37 : vector<16xi32>
        %parallel_loop3A_146 = vector.bitcast %parallel_loop3A_145 : vector<16xi32> to vector<16xf32>
        %parallel_loop3A_147 = arith.addf %parallel_loop3A_128, %parallel_loop3A_144 : vector<16xf32>
        %parallel_loop3A_148 = arith.addf %parallel_loop3A_129, %parallel_loop3A_146 : vector<16xf32>
        %parallel_loop3A_149 = arith.addf %parallel_loop3A_130, %parallel_loop3A_140 : vector<16xf32>
        %parallel_loop3A_150 = arith.constant 1 : i32
        %parallel_loop3A_151 = arith.addi %parallel_loop3A_127, %parallel_loop3A_150 : i32
        %parallel_loop3A_152 = arith.index_cast %parallel_loop3A_151 : i32 to index
        %parallel_loop3A_153 = arith.index_cast %mul3A_102 : i32 to index
        %parallel_loop3A_154 = tpu.vector_load %arg9[%parallel_loop3A_152, %parallel_loop3A_153] {strides = array<i32>} : memref<200x128xi32, #tpu.memory_space<vmem>>, vector<16xi32>,
        %parallel_loop3A_155 = tpu.vector_load_idx %arg6[%parallel_loop3A_154] : memref<30720xi32, #tpu.memory_space<vmem>>[vector<16xi32>], vector<16xi32>,
        %parallel_loop3A_156 = tpu.vector_load_idx %arg7[%parallel_loop3A_154] : memref<30720xf32, #tpu.memory_space<vmem>>[vector<16xi32>], vector<16xf32>,
        %parallel_loop3A_157 = arith.constant 16 : i32
        %parallel_loop3A_158 = vector.broadcast %parallel_loop3A_157 : i32 to vector<16xi32>
        %parallel_loop3A_159 = arith.shli %parallel_loop3A_155, %parallel_loop3A_158 : vector<16xi32>
        %parallel_loop3A_160 = vector.bitcast %parallel_loop3A_159 : vector<16xi32> to vector<16xf32>
        %parallel_loop3A_161 = arith.andi %parallel_loop3A_155, %broadcast_in_dim3A_37 : vector<16xi32>
        %parallel_loop3A_162 = vector.bitcast %parallel_loop3A_161 : vector<16xi32> to vector<16xf32>
        %parallel_loop3A_163 = arith.addf %parallel_loop3A_131, %parallel_loop3A_160 : vector<16xf32>
        %parallel_loop3A_164 = arith.addf %parallel_loop3A_132, %parallel_loop3A_162 : vector<16xf32>
        %parallel_loop3A_165 = arith.addf %parallel_loop3A_133, %parallel_loop3A_156 : vector<16xf32>
        %parallel_loop3A_166 = arith.constant 2 : i32
        %parallel_loop3A_167 = arith.addi %parallel_loop3A_127, %parallel_loop3A_166 : i32
        %parallel_loop3A_168 = arith.index_cast %parallel_loop3A_167 : i32 to index
        %parallel_loop3A_169 = arith.index_cast %mul3A_102 : i32 to index
        %parallel_loop3A_170 = tpu.vector_load %arg9[%parallel_loop3A_168, %parallel_loop3A_169] {strides = array<i32>} : memref<200x128xi32, #tpu.memory_space<vmem>>, vector<16xi32>,
        %parallel_loop3A_171 = tpu.vector_load_idx %arg6[%parallel_loop3A_170] : memref<30720xi32, #tpu.memory_space<vmem>>[vector<16xi32>], vector<16xi32>,
        %parallel_loop3A_172 = tpu.vector_load_idx %arg7[%parallel_loop3A_170] : memref<30720xf32, #tpu.memory_space<vmem>>[vector<16xi32>], vector<16xf32>,
        %parallel_loop3A_173 = arith.constant 16 : i32
        %parallel_loop3A_174 = vector.broadcast %parallel_loop3A_173 : i32 to vector<16xi32>
        %parallel_loop3A_175 = arith.shli %parallel_loop3A_171, %parallel_loop3A_174 : vector<16xi32>
        %parallel_loop3A_176 = vector.bitcast %parallel_loop3A_175 : vector<16xi32> to vector<16xf32>
        %parallel_loop3A_177 = arith.andi %parallel_loop3A_171, %broadcast_in_dim3A_37 : vector<16xi32>
        %parallel_loop3A_178 = vector.bitcast %parallel_loop3A_177 : vector<16xi32> to vector<16xf32>
        %parallel_loop3A_179 = arith.addf %parallel_loop3A_147, %parallel_loop3A_176 : vector<16xf32>
        %parallel_loop3A_180 = arith.addf %parallel_loop3A_148, %parallel_loop3A_178 : vector<16xf32>
        %parallel_loop3A_181 = arith.addf %parallel_loop3A_149, %parallel_loop3A_172 : vector<16xf32>
        %parallel_loop3A_182 = arith.constant 3 : i32
        %parallel_loop3A_183 = arith.addi %parallel_loop3A_127, %parallel_loop3A_182 : i32
        %parallel_loop3A_184 = arith.index_cast %parallel_loop3A_183 : i32 to index
        %parallel_loop3A_185 = arith.index_cast %mul3A_102 : i32 to index
        %parallel_loop3A_186 = tpu.vector_load %arg9[%parallel_loop3A_184, %parallel_loop3A_185] {strides = array<i32>} : memref<200x128xi32, #tpu.memory_space<vmem>>, vector<16xi32>,
        %parallel_loop3A_187 = tpu.vector_load_idx %arg6[%parallel_loop3A_186] : memref<30720xi32, #tpu.memory_space<vmem>>[vector<16xi32>], vector<16xi32>,
        %parallel_loop3A_188 = tpu.vector_load_idx %arg7[%parallel_loop3A_186] : memref<30720xf32, #tpu.memory_space<vmem>>[vector<16xi32>], vector<16xf32>,
        %parallel_loop3A_189 = arith.constant 16 : i32
        %parallel_loop3A_190 = vector.broadcast %parallel_loop3A_189 : i32 to vector<16xi32>
        %parallel_loop3A_191 = arith.shli %parallel_loop3A_187, %parallel_loop3A_190 : vector<16xi32>
        %parallel_loop3A_192 = vector.bitcast %parallel_loop3A_191 : vector<16xi32> to vector<16xf32>
        %parallel_loop3A_193 = arith.andi %parallel_loop3A_187, %broadcast_in_dim3A_37 : vector<16xi32>
        %parallel_loop3A_194 = vector.bitcast %parallel_loop3A_193 : vector<16xi32> to vector<16xf32>
        %parallel_loop3A_195 = arith.addf %parallel_loop3A_163, %parallel_loop3A_192 : vector<16xf32>
        %parallel_loop3A_196 = arith.addf %parallel_loop3A_164, %parallel_loop3A_194 : vector<16xf32>
        %parallel_loop3A_197 = arith.addf %parallel_loop3A_165, %parallel_loop3A_188 : vector<16xf32>
        %parallel_loop3A_198 = arith.constant 4 : i32
        %parallel_loop3A_199 = arith.addi %parallel_loop3A_127, %parallel_loop3A_198 : i32
        %parallel_loop3A_200 = arith.index_cast %parallel_loop3A_199 : i32 to index
        %parallel_loop3A_201 = arith.index_cast %mul3A_102 : i32 to index
        %parallel_loop3A_202 = tpu.vector_load %arg9[%parallel_loop3A_200, %parallel_loop3A_201] {strides = array<i32>} : memref<200x128xi32, #tpu.memory_space<vmem>>, vector<16xi32>,
        %parallel_loop3A_203 = tpu.vector_load_idx %arg6[%parallel_loop3A_202] : memref<30720xi32, #tpu.memory_space<vmem>>[vector<16xi32>], vector<16xi32>,
        %parallel_loop3A_204 = tpu.vector_load_idx %arg7[%parallel_loop3A_202] : memref<30720xf32, #tpu.memory_space<vmem>>[vector<16xi32>], vector<16xf32>,
        %parallel_loop3A_205 = arith.constant 16 : i32
        %parallel_loop3A_206 = vector.broadcast %parallel_loop3A_205 : i32 to vector<16xi32>
        %parallel_loop3A_207 = arith.shli %parallel_loop3A_203, %parallel_loop3A_206 : vector<16xi32>
        %parallel_loop3A_208 = vector.bitcast %parallel_loop3A_207 : vector<16xi32> to vector<16xf32>
        %parallel_loop3A_209 = arith.andi %parallel_loop3A_203, %broadcast_in_dim3A_37 : vector<16xi32>
        %parallel_loop3A_210 = vector.bitcast %parallel_loop3A_209 : vector<16xi32> to vector<16xf32>
        %parallel_loop3A_211 = arith.addf %parallel_loop3A_179, %parallel_loop3A_208 : vector<16xf32>
        %parallel_loop3A_212 = arith.addf %parallel_loop3A_180, %parallel_loop3A_210 : vector<16xf32>
        %parallel_loop3A_213 = arith.addf %parallel_loop3A_181, %parallel_loop3A_204 : vector<16xf32>
        %parallel_loop3A_214 = arith.constant 5 : i32
        %parallel_loop3A_215 = arith.addi %parallel_loop3A_127, %parallel_loop3A_214 : i32
        %parallel_loop3A_216 = arith.index_cast %parallel_loop3A_215 : i32 to index
        %parallel_loop3A_217 = arith.index_cast %mul3A_102 : i32 to index
        %parallel_loop3A_218 = tpu.vector_load %arg9[%parallel_loop3A_216, %parallel_loop3A_217] {strides = array<i32>} : memref<200x128xi32, #tpu.memory_space<vmem>>, vector<16xi32>,
        %parallel_loop3A_219 = tpu.vector_load_idx %arg6[%parallel_loop3A_218] : memref<30720xi32, #tpu.memory_space<vmem>>[vector<16xi32>], vector<16xi32>,
        %parallel_loop3A_220 = tpu.vector_load_idx %arg7[%parallel_loop3A_218] : memref<30720xf32, #tpu.memory_space<vmem>>[vector<16xi32>], vector<16xf32>,
        %parallel_loop3A_221 = arith.constant 16 : i32
        %parallel_loop3A_222 = vector.broadcast %parallel_loop3A_221 : i32 to vector<16xi32>
        %parallel_loop3A_223 = arith.shli %parallel_loop3A_219, %parallel_loop3A_222 : vector<16xi32>
        %parallel_loop3A_224 = vector.bitcast %parallel_loop3A_223 : vector<16xi32> to vector<16xf32>
        %parallel_loop3A_225 = arith.andi %parallel_loop3A_219, %broadcast_in_dim3A_37 : vector<16xi32>
        %parallel_loop3A_226 = vector.bitcast %parallel_loop3A_225 : vector<16xi32> to vector<16xf32>
        %parallel_loop3A_227 = arith.addf %parallel_loop3A_195, %parallel_loop3A_224 : vector<16xf32>
        %parallel_loop3A_228 = arith.addf %parallel_loop3A_196, %parallel_loop3A_226 : vector<16xf32>
        %parallel_loop3A_229 = arith.addf %parallel_loop3A_197, %parallel_loop3A_220 : vector<16xf32>
        %parallel_loop3A_230 = arith.constant 6 : i32
        %parallel_loop3A_231 = arith.addi %parallel_loop3A_127, %parallel_loop3A_230 : i32
        %parallel_loop3A_232 = arith.index_cast %parallel_loop3A_231 : i32 to index
        %parallel_loop3A_233 = arith.index_cast %mul3A_102 : i32 to index
        %parallel_loop3A_234 = tpu.vector_load %arg9[%parallel_loop3A_232, %parallel_loop3A_233] {strides = array<i32>} : memref<200x128xi32, #tpu.memory_space<vmem>>, vector<16xi32>,
        %parallel_loop3A_235 = tpu.vector_load_idx %arg6[%parallel_loop3A_234] : memref<30720xi32, #tpu.memory_space<vmem>>[vector<16xi32>], vector<16xi32>,
        %parallel_loop3A_236 = tpu.vector_load_idx %arg7[%parallel_loop3A_234] : memref<30720xf32, #tpu.memory_space<vmem>>[vector<16xi32>], vector<16xf32>,
        %parallel_loop3A_237 = arith.constant 16 : i32
        %parallel_loop3A_238 = vector.broadcast %parallel_loop3A_237 : i32 to vector<16xi32>
        %parallel_loop3A_239 = arith.shli %parallel_loop3A_235, %parallel_loop3A_238 : vector<16xi32>
        %parallel_loop3A_240 = vector.bitcast %parallel_loop3A_239 : vector<16xi32> to vector<16xf32>
        %parallel_loop3A_241 = arith.andi %parallel_loop3A_235, %broadcast_in_dim3A_37 : vector<16xi32>
        %parallel_loop3A_242 = vector.bitcast %parallel_loop3A_241 : vector<16xi32> to vector<16xf32>
        %parallel_loop3A_243 = arith.addf %parallel_loop3A_211, %parallel_loop3A_240 : vector<16xf32>
        %parallel_loop3A_244 = arith.addf %parallel_loop3A_212, %parallel_loop3A_242 : vector<16xf32>
        %parallel_loop3A_245 = arith.addf %parallel_loop3A_213, %parallel_loop3A_236 : vector<16xf32>
        %parallel_loop3A_246 = arith.constant 7 : i32
        %parallel_loop3A_247 = arith.addi %parallel_loop3A_127, %parallel_loop3A_246 : i32
        %parallel_loop3A_248 = arith.index_cast %parallel_loop3A_247 : i32 to index
        %parallel_loop3A_249 = arith.index_cast %mul3A_102 : i32 to index
        %parallel_loop3A_250 = tpu.vector_load %arg9[%parallel_loop3A_248, %parallel_loop3A_249] {strides = array<i32>} : memref<200x128xi32, #tpu.memory_space<vmem>>, vector<16xi32>,
        %parallel_loop3A_251 = tpu.vector_load_idx %arg6[%parallel_loop3A_250] : memref<30720xi32, #tpu.memory_space<vmem>>[vector<16xi32>], vector<16xi32>,
        %parallel_loop3A_252 = tpu.vector_load_idx %arg7[%parallel_loop3A_250] : memref<30720xf32, #tpu.memory_space<vmem>>[vector<16xi32>], vector<16xf32>,
        %parallel_loop3A_253 = arith.constant 16 : i32
        %parallel_loop3A_254 = vector.broadcast %parallel_loop3A_253 : i32 to vector<16xi32>
        %parallel_loop3A_255 = arith.shli %parallel_loop3A_251, %parallel_loop3A_254 : vector<16xi32>
        %parallel_loop3A_256 = vector.bitcast %parallel_loop3A_255 : vector<16xi32> to vector<16xf32>
        %parallel_loop3A_257 = arith.andi %parallel_loop3A_251, %broadcast_in_dim3A_37 : vector<16xi32>
        %parallel_loop3A_258 = vector.bitcast %parallel_loop3A_257 : vector<16xi32> to vector<16xf32>
        %parallel_loop3A_259 = arith.addf %parallel_loop3A_227, %parallel_loop3A_256 : vector<16xf32>
        %parallel_loop3A_260 = arith.addf %parallel_loop3A_228, %parallel_loop3A_258 : vector<16xf32>
        %parallel_loop3A_261 = arith.addf %parallel_loop3A_229, %parallel_loop3A_252 : vector<16xf32>
        scf.yield %parallel_loop3A_243, %parallel_loop3A_244, %parallel_loop3A_245, %parallel_loop3A_259, %parallel_loop3A_260, %parallel_loop3A_261 : vector<16xf32>, vector<16xf32>, vector<16xf32>, vector<16xf32>, vector<16xf32>, vector<16xf32>
      } {sc.loop_unroll_factor = 1 : i64, sc.parallel_access}
      %add3A_106 = arith.addf %parallel_loop3A_105#0, %parallel_loop3A_105#3 : vector<16xf32>
      %add3A_107 = arith.constant 128 : i32
      %add3A_108 = arith.addi %add3A_107, %mul3A_102 : i32
      %swap3A = arith.constant 0 : i32
      %swap3A_109 = arith.index_cast %swap3A : i32 to index
      %swap3A_110 = arith.index_cast %add3A_108 : i32 to index
      %swap3A_111 = tpu.vector_load %arg10[%swap3A_109, %swap3A_110] {strides = array<i32>} : memref<1x512xf32, #tpu.memory_space<vmem>>, vector<16xf32>,
      tpu.vector_store %arg10[%swap3A_109, %swap3A_110], %add3A_106 {strides = array<i32>} : memref<1x512xf32, #tpu.memory_space<vmem>>, vector<16xf32>,
      %add3A_112 = arith.addf %parallel_loop3A_105#1, %parallel_loop3A_105#4 : vector<16xf32>
      %add3A_113 = arith.constant 128 : i32
      %add3A_114 = arith.addi %add3A_113, %mul3A_102 : i32
      %swap3A_115 = arith.constant 0 : i32
      %swap3A_116 = arith.index_cast %swap3A_115 : i32 to index
      %swap3A_117 = arith.index_cast %add3A_114 : i32 to index
      %swap3A_118 = tpu.vector_load %arg11[%swap3A_116, %swap3A_117] {strides = array<i32>} : memref<1x512xf32, #tpu.memory_space<vmem>>, vector<16xf32>,
      tpu.vector_store %arg11[%swap3A_116, %swap3A_117], %add3A_112 {strides = array<i32>} : memref<1x512xf32, #tpu.memory_space<vmem>>, vector<16xf32>,
      %add3A_119 = arith.addf %parallel_loop3A_105#2, %parallel_loop3A_105#5 : vector<16xf32>
      %add3A_120 = arith.constant 128 : i32
      %add3A_121 = arith.addi %add3A_120, %mul3A_102 : i32
      %swap3A_122 = arith.constant 0 : i32
      %swap3A_123 = arith.index_cast %swap3A_122 : i32 to index
      %swap3A_124 = arith.index_cast %add3A_121 : i32 to index
      %swap3A_125 = tpu.vector_load %arg12[%swap3A_123, %swap3A_124] {strides = array<i32>} : memref<1x512xf32, #tpu.memory_space<vmem>>, vector<16xf32>,
      tpu.vector_store %arg12[%swap3A_123, %swap3A_124], %add3A_119 {strides = array<i32>} : memref<1x512xf32, #tpu.memory_space<vmem>>, vector<16xf32>,
      %scan3A_126 = arith.constant 0 : i32
      scf.yield %scan3A_126 : i32
    }
    %scan3A_70 = arith.constant 8 : i32
    %add3A_71 = arith.constant 384 : i32
    %add3A_72 = arith.addi %mul3A_2, %add3A_71 : i32
    %dma_start3A_73 = arith.constant 0 : i32
    %dma_start3A_74 = tpu.memref_slice %arg4[%dma_start3A_73, %add3A_72] : memref<200x16384xi32, #tpu.memory_space<hbm>> -> memref<200x128xi32, #tpu.memory_space<hbm>>
    %dma_start3A_75 = arith.constant 0 : i32
    %dma_start3A_76 = tpu.memref_slice %arg4[%dma_start3A_75, %add3A_72] : memref<200x16384xi32, #tpu.memory_space<hbm>> -> memref<200x128xi32, #tpu.memory_space<hbm>>
    tpu.enqueue_dma source(%dma_start3A_76 : memref<200x128xi32, #tpu.memory_space<hbm>>) target(%arg9 : memref<200x128xi32, #tpu.memory_space<vmem>>) target_semaphore(%arg14 : memref<!tpu.dma_semaphore, #tpu.memory_space<semaphore_mem>>)
    %dma_wait3A_77 = arith.constant 0 : i32
    %dma_wait3A_78 = tpu.memref_slice %arg4[%dma_wait3A_77, %add3A_55] : memref<200x16384xi32, #tpu.memory_space<hbm>> -> memref<200x128xi32, #tpu.memory_space<hbm>>
    %dma_wait3A_79 = arith.constant 0 : i32
    %dma_wait3A_80 = tpu.memref_slice %arg4[%dma_wait3A_79, %add3A_55] : memref<200x16384xi32, #tpu.memory_space<hbm>> -> memref<200x128xi32, #tpu.memory_space<hbm>>
    tpu.wait_dma2 semaphore(%arg13 : memref<!tpu.dma_semaphore, #tpu.memory_space<semaphore_mem>>) src(%dma_wait3A_80 : memref<200x128xi32, #tpu.memory_space<hbm>>) dst(%arg8 : memref<200x128xi32, #tpu.memory_space<vmem>>)
    %scan3A_81 = arith.constant 0 : i32
    %scan3A_82 = arith.constant 0 : i32
    %scan3A_83 = arith.constant 8 : i32
    %scan3A_84 = arith.addi %scan3A_82, %scan3A_83 : i32
    %scan3A_85 = arith.constant 1 : i32
    %scan3A_86 = scf.for %scan3A_99 = %scan3A_82 to %scan3A_84 step %scan3A_85 iter_args(%scan3A_100 = %scan3A_81) -> (i32)  : i32 {
      %mul3A_101 = arith.constant 16 : i32
      %mul3A_102 = arith.muli %scan3A_99, %mul3A_101 : i32
      %parallel_loop3A = arith.constant 0 : i32
      %parallel_loop3A_103 = arith.constant 200 : i32
      %parallel_loop3A_104 = arith.constant 8 : i32
      %parallel_loop3A_105:6 = scf.for %parallel_loop3A_127 = %parallel_loop3A to %parallel_loop3A_103 step %parallel_loop3A_104 iter_args(%parallel_loop3A_128 = %broadcast_in_dim3A_35, %parallel_loop3A_129 = %broadcast_in_dim3A_35, %parallel_loop3A_130 = %broadcast_in_dim3A_35, %parallel_loop3A_131 = %broadcast_in_dim3A_35, %parallel_loop3A_132 = %broadcast_in_dim3A_35, %parallel_loop3A_133 = %broadcast_in_dim3A_35) -> (vector<16xf32>, vector<16xf32>, vector<16xf32>, vector<16xf32>, vector<16xf32>, vector<16xf32>)  : i32 {
        %parallel_loop3A_134 = arith.constant 0 : i32
        %parallel_loop3A_135 = arith.addi %parallel_loop3A_127, %parallel_loop3A_134 : i32
        %parallel_loop3A_136 = arith.index_cast %parallel_loop3A_135 : i32 to index
        %parallel_loop3A_137 = arith.index_cast %mul3A_102 : i32 to index
        %parallel_loop3A_138 = tpu.vector_load %arg8[%parallel_loop3A_136, %parallel_loop3A_137] {strides = array<i32>} : memref<200x128xi32, #tpu.memory_space<vmem>>, vector<16xi32>,
        %parallel_loop3A_139 = tpu.vector_load_idx %arg6[%parallel_loop3A_138] : memref<30720xi32, #tpu.memory_space<vmem>>[vector<16xi32>], vector<16xi32>,
        %parallel_loop3A_140 = tpu.vector_load_idx %arg7[%parallel_loop3A_138] : memref<30720xf32, #tpu.memory_space<vmem>>[vector<16xi32>], vector<16xf32>,
        %parallel_loop3A_141 = arith.constant 16 : i32
        %parallel_loop3A_142 = vector.broadcast %parallel_loop3A_141 : i32 to vector<16xi32>
        %parallel_loop3A_143 = arith.shli %parallel_loop3A_139, %parallel_loop3A_142 : vector<16xi32>
        %parallel_loop3A_144 = vector.bitcast %parallel_loop3A_143 : vector<16xi32> to vector<16xf32>
        %parallel_loop3A_145 = arith.andi %parallel_loop3A_139, %broadcast_in_dim3A_37 : vector<16xi32>
        %parallel_loop3A_146 = vector.bitcast %parallel_loop3A_145 : vector<16xi32> to vector<16xf32>
        %parallel_loop3A_147 = arith.addf %parallel_loop3A_128, %parallel_loop3A_144 : vector<16xf32>
        %parallel_loop3A_148 = arith.addf %parallel_loop3A_129, %parallel_loop3A_146 : vector<16xf32>
        %parallel_loop3A_149 = arith.addf %parallel_loop3A_130, %parallel_loop3A_140 : vector<16xf32>
        %parallel_loop3A_150 = arith.constant 1 : i32
        %parallel_loop3A_151 = arith.addi %parallel_loop3A_127, %parallel_loop3A_150 : i32
        %parallel_loop3A_152 = arith.index_cast %parallel_loop3A_151 : i32 to index
        %parallel_loop3A_153 = arith.index_cast %mul3A_102 : i32 to index
        %parallel_loop3A_154 = tpu.vector_load %arg8[%parallel_loop3A_152, %parallel_loop3A_153] {strides = array<i32>} : memref<200x128xi32, #tpu.memory_space<vmem>>, vector<16xi32>,
        %parallel_loop3A_155 = tpu.vector_load_idx %arg6[%parallel_loop3A_154] : memref<30720xi32, #tpu.memory_space<vmem>>[vector<16xi32>], vector<16xi32>,
        %parallel_loop3A_156 = tpu.vector_load_idx %arg7[%parallel_loop3A_154] : memref<30720xf32, #tpu.memory_space<vmem>>[vector<16xi32>], vector<16xf32>,
        %parallel_loop3A_157 = arith.constant 16 : i32
        %parallel_loop3A_158 = vector.broadcast %parallel_loop3A_157 : i32 to vector<16xi32>
        %parallel_loop3A_159 = arith.shli %parallel_loop3A_155, %parallel_loop3A_158 : vector<16xi32>
        %parallel_loop3A_160 = vector.bitcast %parallel_loop3A_159 : vector<16xi32> to vector<16xf32>
        %parallel_loop3A_161 = arith.andi %parallel_loop3A_155, %broadcast_in_dim3A_37 : vector<16xi32>
        %parallel_loop3A_162 = vector.bitcast %parallel_loop3A_161 : vector<16xi32> to vector<16xf32>
        %parallel_loop3A_163 = arith.addf %parallel_loop3A_131, %parallel_loop3A_160 : vector<16xf32>
        %parallel_loop3A_164 = arith.addf %parallel_loop3A_132, %parallel_loop3A_162 : vector<16xf32>
        %parallel_loop3A_165 = arith.addf %parallel_loop3A_133, %parallel_loop3A_156 : vector<16xf32>
        %parallel_loop3A_166 = arith.constant 2 : i32
        %parallel_loop3A_167 = arith.addi %parallel_loop3A_127, %parallel_loop3A_166 : i32
        %parallel_loop3A_168 = arith.index_cast %parallel_loop3A_167 : i32 to index
        %parallel_loop3A_169 = arith.index_cast %mul3A_102 : i32 to index
        %parallel_loop3A_170 = tpu.vector_load %arg8[%parallel_loop3A_168, %parallel_loop3A_169] {strides = array<i32>} : memref<200x128xi32, #tpu.memory_space<vmem>>, vector<16xi32>,
        %parallel_loop3A_171 = tpu.vector_load_idx %arg6[%parallel_loop3A_170] : memref<30720xi32, #tpu.memory_space<vmem>>[vector<16xi32>], vector<16xi32>,
        %parallel_loop3A_172 = tpu.vector_load_idx %arg7[%parallel_loop3A_170] : memref<30720xf32, #tpu.memory_space<vmem>>[vector<16xi32>], vector<16xf32>,
        %parallel_loop3A_173 = arith.constant 16 : i32
        %parallel_loop3A_174 = vector.broadcast %parallel_loop3A_173 : i32 to vector<16xi32>
        %parallel_loop3A_175 = arith.shli %parallel_loop3A_171, %parallel_loop3A_174 : vector<16xi32>
        %parallel_loop3A_176 = vector.bitcast %parallel_loop3A_175 : vector<16xi32> to vector<16xf32>
        %parallel_loop3A_177 = arith.andi %parallel_loop3A_171, %broadcast_in_dim3A_37 : vector<16xi32>
        %parallel_loop3A_178 = vector.bitcast %parallel_loop3A_177 : vector<16xi32> to vector<16xf32>
        %parallel_loop3A_179 = arith.addf %parallel_loop3A_147, %parallel_loop3A_176 : vector<16xf32>
        %parallel_loop3A_180 = arith.addf %parallel_loop3A_148, %parallel_loop3A_178 : vector<16xf32>
        %parallel_loop3A_181 = arith.addf %parallel_loop3A_149, %parallel_loop3A_172 : vector<16xf32>
        %parallel_loop3A_182 = arith.constant 3 : i32
        %parallel_loop3A_183 = arith.addi %parallel_loop3A_127, %parallel_loop3A_182 : i32
        %parallel_loop3A_184 = arith.index_cast %parallel_loop3A_183 : i32 to index
        %parallel_loop3A_185 = arith.index_cast %mul3A_102 : i32 to index
        %parallel_loop3A_186 = tpu.vector_load %arg8[%parallel_loop3A_184, %parallel_loop3A_185] {strides = array<i32>} : memref<200x128xi32, #tpu.memory_space<vmem>>, vector<16xi32>,
        %parallel_loop3A_187 = tpu.vector_load_idx %arg6[%parallel_loop3A_186] : memref<30720xi32, #tpu.memory_space<vmem>>[vector<16xi32>], vector<16xi32>,
        %parallel_loop3A_188 = tpu.vector_load_idx %arg7[%parallel_loop3A_186] : memref<30720xf32, #tpu.memory_space<vmem>>[vector<16xi32>], vector<16xf32>,
        %parallel_loop3A_189 = arith.constant 16 : i32
        %parallel_loop3A_190 = vector.broadcast %parallel_loop3A_189 : i32 to vector<16xi32>
        %parallel_loop3A_191 = arith.shli %parallel_loop3A_187, %parallel_loop3A_190 : vector<16xi32>
        %parallel_loop3A_192 = vector.bitcast %parallel_loop3A_191 : vector<16xi32> to vector<16xf32>
        %parallel_loop3A_193 = arith.andi %parallel_loop3A_187, %broadcast_in_dim3A_37 : vector<16xi32>
        %parallel_loop3A_194 = vector.bitcast %parallel_loop3A_193 : vector<16xi32> to vector<16xf32>
        %parallel_loop3A_195 = arith.addf %parallel_loop3A_163, %parallel_loop3A_192 : vector<16xf32>
        %parallel_loop3A_196 = arith.addf %parallel_loop3A_164, %parallel_loop3A_194 : vector<16xf32>
        %parallel_loop3A_197 = arith.addf %parallel_loop3A_165, %parallel_loop3A_188 : vector<16xf32>
        %parallel_loop3A_198 = arith.constant 4 : i32
        %parallel_loop3A_199 = arith.addi %parallel_loop3A_127, %parallel_loop3A_198 : i32
        %parallel_loop3A_200 = arith.index_cast %parallel_loop3A_199 : i32 to index
        %parallel_loop3A_201 = arith.index_cast %mul3A_102 : i32 to index
        %parallel_loop3A_202 = tpu.vector_load %arg8[%parallel_loop3A_200, %parallel_loop3A_201] {strides = array<i32>} : memref<200x128xi32, #tpu.memory_space<vmem>>, vector<16xi32>,
        %parallel_loop3A_203 = tpu.vector_load_idx %arg6[%parallel_loop3A_202] : memref<30720xi32, #tpu.memory_space<vmem>>[vector<16xi32>], vector<16xi32>,
        %parallel_loop3A_204 = tpu.vector_load_idx %arg7[%parallel_loop3A_202] : memref<30720xf32, #tpu.memory_space<vmem>>[vector<16xi32>], vector<16xf32>,
        %parallel_loop3A_205 = arith.constant 16 : i32
        %parallel_loop3A_206 = vector.broadcast %parallel_loop3A_205 : i32 to vector<16xi32>
        %parallel_loop3A_207 = arith.shli %parallel_loop3A_203, %parallel_loop3A_206 : vector<16xi32>
        %parallel_loop3A_208 = vector.bitcast %parallel_loop3A_207 : vector<16xi32> to vector<16xf32>
        %parallel_loop3A_209 = arith.andi %parallel_loop3A_203, %broadcast_in_dim3A_37 : vector<16xi32>
        %parallel_loop3A_210 = vector.bitcast %parallel_loop3A_209 : vector<16xi32> to vector<16xf32>
        %parallel_loop3A_211 = arith.addf %parallel_loop3A_179, %parallel_loop3A_208 : vector<16xf32>
        %parallel_loop3A_212 = arith.addf %parallel_loop3A_180, %parallel_loop3A_210 : vector<16xf32>
        %parallel_loop3A_213 = arith.addf %parallel_loop3A_181, %parallel_loop3A_204 : vector<16xf32>
        %parallel_loop3A_214 = arith.constant 5 : i32
        %parallel_loop3A_215 = arith.addi %parallel_loop3A_127, %parallel_loop3A_214 : i32
        %parallel_loop3A_216 = arith.index_cast %parallel_loop3A_215 : i32 to index
        %parallel_loop3A_217 = arith.index_cast %mul3A_102 : i32 to index
        %parallel_loop3A_218 = tpu.vector_load %arg8[%parallel_loop3A_216, %parallel_loop3A_217] {strides = array<i32>} : memref<200x128xi32, #tpu.memory_space<vmem>>, vector<16xi32>,
        %parallel_loop3A_219 = tpu.vector_load_idx %arg6[%parallel_loop3A_218] : memref<30720xi32, #tpu.memory_space<vmem>>[vector<16xi32>], vector<16xi32>,
        %parallel_loop3A_220 = tpu.vector_load_idx %arg7[%parallel_loop3A_218] : memref<30720xf32, #tpu.memory_space<vmem>>[vector<16xi32>], vector<16xf32>,
        %parallel_loop3A_221 = arith.constant 16 : i32
        %parallel_loop3A_222 = vector.broadcast %parallel_loop3A_221 : i32 to vector<16xi32>
        %parallel_loop3A_223 = arith.shli %parallel_loop3A_219, %parallel_loop3A_222 : vector<16xi32>
        %parallel_loop3A_224 = vector.bitcast %parallel_loop3A_223 : vector<16xi32> to vector<16xf32>
        %parallel_loop3A_225 = arith.andi %parallel_loop3A_219, %broadcast_in_dim3A_37 : vector<16xi32>
        %parallel_loop3A_226 = vector.bitcast %parallel_loop3A_225 : vector<16xi32> to vector<16xf32>
        %parallel_loop3A_227 = arith.addf %parallel_loop3A_195, %parallel_loop3A_224 : vector<16xf32>
        %parallel_loop3A_228 = arith.addf %parallel_loop3A_196, %parallel_loop3A_226 : vector<16xf32>
        %parallel_loop3A_229 = arith.addf %parallel_loop3A_197, %parallel_loop3A_220 : vector<16xf32>
        %parallel_loop3A_230 = arith.constant 6 : i32
        %parallel_loop3A_231 = arith.addi %parallel_loop3A_127, %parallel_loop3A_230 : i32
        %parallel_loop3A_232 = arith.index_cast %parallel_loop3A_231 : i32 to index
        %parallel_loop3A_233 = arith.index_cast %mul3A_102 : i32 to index
        %parallel_loop3A_234 = tpu.vector_load %arg8[%parallel_loop3A_232, %parallel_loop3A_233] {strides = array<i32>} : memref<200x128xi32, #tpu.memory_space<vmem>>, vector<16xi32>,
        %parallel_loop3A_235 = tpu.vector_load_idx %arg6[%parallel_loop3A_234] : memref<30720xi32, #tpu.memory_space<vmem>>[vector<16xi32>], vector<16xi32>,
        %parallel_loop3A_236 = tpu.vector_load_idx %arg7[%parallel_loop3A_234] : memref<30720xf32, #tpu.memory_space<vmem>>[vector<16xi32>], vector<16xf32>,
        %parallel_loop3A_237 = arith.constant 16 : i32
        %parallel_loop3A_238 = vector.broadcast %parallel_loop3A_237 : i32 to vector<16xi32>
        %parallel_loop3A_239 = arith.shli %parallel_loop3A_235, %parallel_loop3A_238 : vector<16xi32>
        %parallel_loop3A_240 = vector.bitcast %parallel_loop3A_239 : vector<16xi32> to vector<16xf32>
        %parallel_loop3A_241 = arith.andi %parallel_loop3A_235, %broadcast_in_dim3A_37 : vector<16xi32>
        %parallel_loop3A_242 = vector.bitcast %parallel_loop3A_241 : vector<16xi32> to vector<16xf32>
        %parallel_loop3A_243 = arith.addf %parallel_loop3A_211, %parallel_loop3A_240 : vector<16xf32>
        %parallel_loop3A_244 = arith.addf %parallel_loop3A_212, %parallel_loop3A_242 : vector<16xf32>
        %parallel_loop3A_245 = arith.addf %parallel_loop3A_213, %parallel_loop3A_236 : vector<16xf32>
        %parallel_loop3A_246 = arith.constant 7 : i32
        %parallel_loop3A_247 = arith.addi %parallel_loop3A_127, %parallel_loop3A_246 : i32
        %parallel_loop3A_248 = arith.index_cast %parallel_loop3A_247 : i32 to index
        %parallel_loop3A_249 = arith.index_cast %mul3A_102 : i32 to index
        %parallel_loop3A_250 = tpu.vector_load %arg8[%parallel_loop3A_248, %parallel_loop3A_249] {strides = array<i32>} : memref<200x128xi32, #tpu.memory_space<vmem>>, vector<16xi32>,
        %parallel_loop3A_251 = tpu.vector_load_idx %arg6[%parallel_loop3A_250] : memref<30720xi32, #tpu.memory_space<vmem>>[vector<16xi32>], vector<16xi32>,
        %parallel_loop3A_252 = tpu.vector_load_idx %arg7[%parallel_loop3A_250] : memref<30720xf32, #tpu.memory_space<vmem>>[vector<16xi32>], vector<16xf32>,
        %parallel_loop3A_253 = arith.constant 16 : i32
        %parallel_loop3A_254 = vector.broadcast %parallel_loop3A_253 : i32 to vector<16xi32>
        %parallel_loop3A_255 = arith.shli %parallel_loop3A_251, %parallel_loop3A_254 : vector<16xi32>
        %parallel_loop3A_256 = vector.bitcast %parallel_loop3A_255 : vector<16xi32> to vector<16xf32>
        %parallel_loop3A_257 = arith.andi %parallel_loop3A_251, %broadcast_in_dim3A_37 : vector<16xi32>
        %parallel_loop3A_258 = vector.bitcast %parallel_loop3A_257 : vector<16xi32> to vector<16xf32>
        %parallel_loop3A_259 = arith.addf %parallel_loop3A_227, %parallel_loop3A_256 : vector<16xf32>
        %parallel_loop3A_260 = arith.addf %parallel_loop3A_228, %parallel_loop3A_258 : vector<16xf32>
        %parallel_loop3A_261 = arith.addf %parallel_loop3A_229, %parallel_loop3A_252 : vector<16xf32>
        scf.yield %parallel_loop3A_243, %parallel_loop3A_244, %parallel_loop3A_245, %parallel_loop3A_259, %parallel_loop3A_260, %parallel_loop3A_261 : vector<16xf32>, vector<16xf32>, vector<16xf32>, vector<16xf32>, vector<16xf32>, vector<16xf32>
      } {sc.loop_unroll_factor = 1 : i64, sc.parallel_access}
      %add3A_106 = arith.addf %parallel_loop3A_105#0, %parallel_loop3A_105#3 : vector<16xf32>
      %add3A_107 = arith.constant 256 : i32
      %add3A_108 = arith.addi %add3A_107, %mul3A_102 : i32
      %swap3A = arith.constant 0 : i32
      %swap3A_109 = arith.index_cast %swap3A : i32 to index
      %swap3A_110 = arith.index_cast %add3A_108 : i32 to index
      %swap3A_111 = tpu.vector_load %arg10[%swap3A_109, %swap3A_110] {strides = array<i32>} : memref<1x512xf32, #tpu.memory_space<vmem>>, vector<16xf32>,
      tpu.vector_store %arg10[%swap3A_109, %swap3A_110], %add3A_106 {strides = array<i32>} : memref<1x512xf32, #tpu.memory_space<vmem>>, vector<16xf32>,
      %add3A_112 = arith.addf %parallel_loop3A_105#1, %parallel_loop3A_105#4 : vector<16xf32>
      %add3A_113 = arith.constant 256 : i32
      %add3A_114 = arith.addi %add3A_113, %mul3A_102 : i32
      %swap3A_115 = arith.constant 0 : i32
      %swap3A_116 = arith.index_cast %swap3A_115 : i32 to index
      %swap3A_117 = arith.index_cast %add3A_114 : i32 to index
      %swap3A_118 = tpu.vector_load %arg11[%swap3A_116, %swap3A_117] {strides = array<i32>} : memref<1x512xf32, #tpu.memory_space<vmem>>, vector<16xf32>,
      tpu.vector_store %arg11[%swap3A_116, %swap3A_117], %add3A_112 {strides = array<i32>} : memref<1x512xf32, #tpu.memory_space<vmem>>, vector<16xf32>,
      %add3A_119 = arith.addf %parallel_loop3A_105#2, %parallel_loop3A_105#5 : vector<16xf32>
      %add3A_120 = arith.constant 256 : i32
      %add3A_121 = arith.addi %add3A_120, %mul3A_102 : i32
      %swap3A_122 = arith.constant 0 : i32
      %swap3A_123 = arith.index_cast %swap3A_122 : i32 to index
      %swap3A_124 = arith.index_cast %add3A_121 : i32 to index
      %swap3A_125 = tpu.vector_load %arg12[%swap3A_123, %swap3A_124] {strides = array<i32>} : memref<1x512xf32, #tpu.memory_space<vmem>>, vector<16xf32>,
      tpu.vector_store %arg12[%swap3A_123, %swap3A_124], %add3A_119 {strides = array<i32>} : memref<1x512xf32, #tpu.memory_space<vmem>>, vector<16xf32>,
      %scan3A_126 = arith.constant 0 : i32
      scf.yield %scan3A_126 : i32
    }
    %scan3A_87 = arith.constant 8 : i32
    %dma_wait3A_88 = arith.constant 0 : i32
    %dma_wait3A_89 = tpu.memref_slice %arg4[%dma_wait3A_88, %add3A_72] : memref<200x16384xi32, #tpu.memory_space<hbm>> -> memref<200x128xi32, #tpu.memory_space<hbm>>
    %dma_wait3A_90 = arith.constant 0 : i32
    %dma_wait3A_91 = tpu.memref_slice %arg4[%dma_wait3A_90, %add3A_72] : memref<200x16384xi32, #tpu.memory_space<hbm>> -> memref<200x128xi32, #tpu.memory_space<hbm>>
    tpu.wait_dma2 semaphore(%arg14 : memref<!tpu.dma_semaphore, #tpu.memory_space<semaphore_mem>>) src(%dma_wait3A_91 : memref<200x128xi32, #tpu.memory_space<hbm>>) dst(%arg9 : memref<200x128xi32, #tpu.memory_space<vmem>>)
    %scan3A_92 = arith.constant 0 : i32
    %scan3A_93 = arith.constant 0 : i32
    %scan3A_94 = arith.constant 8 : i32
    %scan3A_95 = arith.addi %scan3A_93, %scan3A_94 : i32
    %scan3A_96 = arith.constant 1 : i32
    %scan3A_97 = scf.for %scan3A_99 = %scan3A_93 to %scan3A_95 step %scan3A_96 iter_args(%scan3A_100 = %scan3A_92) -> (i32)  : i32 {
      %mul3A_101 = arith.constant 16 : i32
      %mul3A_102 = arith.muli %scan3A_99, %mul3A_101 : i32
      %parallel_loop3A = arith.constant 0 : i32
      %parallel_loop3A_103 = arith.constant 200 : i32
      %parallel_loop3A_104 = arith.constant 8 : i32
      %parallel_loop3A_105:6 = scf.for %parallel_loop3A_127 = %parallel_loop3A to %parallel_loop3A_103 step %parallel_loop3A_104 iter_args(%parallel_loop3A_128 = %broadcast_in_dim3A_35, %parallel_loop3A_129 = %broadcast_in_dim3A_35, %parallel_loop3A_130 = %broadcast_in_dim3A_35, %parallel_loop3A_131 = %broadcast_in_dim3A_35, %parallel_loop3A_132 = %broadcast_in_dim3A_35, %parallel_loop3A_133 = %broadcast_in_dim3A_35) -> (vector<16xf32>, vector<16xf32>, vector<16xf32>, vector<16xf32>, vector<16xf32>, vector<16xf32>)  : i32 {
        %parallel_loop3A_134 = arith.constant 0 : i32
        %parallel_loop3A_135 = arith.addi %parallel_loop3A_127, %parallel_loop3A_134 : i32
        %parallel_loop3A_136 = arith.index_cast %parallel_loop3A_135 : i32 to index
        %parallel_loop3A_137 = arith.index_cast %mul3A_102 : i32 to index
        %parallel_loop3A_138 = tpu.vector_load %arg9[%parallel_loop3A_136, %parallel_loop3A_137] {strides = array<i32>} : memref<200x128xi32, #tpu.memory_space<vmem>>, vector<16xi32>,
        %parallel_loop3A_139 = tpu.vector_load_idx %arg6[%parallel_loop3A_138] : memref<30720xi32, #tpu.memory_space<vmem>>[vector<16xi32>], vector<16xi32>,
        %parallel_loop3A_140 = tpu.vector_load_idx %arg7[%parallel_loop3A_138] : memref<30720xf32, #tpu.memory_space<vmem>>[vector<16xi32>], vector<16xf32>,
        %parallel_loop3A_141 = arith.constant 16 : i32
        %parallel_loop3A_142 = vector.broadcast %parallel_loop3A_141 : i32 to vector<16xi32>
        %parallel_loop3A_143 = arith.shli %parallel_loop3A_139, %parallel_loop3A_142 : vector<16xi32>
        %parallel_loop3A_144 = vector.bitcast %parallel_loop3A_143 : vector<16xi32> to vector<16xf32>
        %parallel_loop3A_145 = arith.andi %parallel_loop3A_139, %broadcast_in_dim3A_37 : vector<16xi32>
        %parallel_loop3A_146 = vector.bitcast %parallel_loop3A_145 : vector<16xi32> to vector<16xf32>
        %parallel_loop3A_147 = arith.addf %parallel_loop3A_128, %parallel_loop3A_144 : vector<16xf32>
        %parallel_loop3A_148 = arith.addf %parallel_loop3A_129, %parallel_loop3A_146 : vector<16xf32>
        %parallel_loop3A_149 = arith.addf %parallel_loop3A_130, %parallel_loop3A_140 : vector<16xf32>
        %parallel_loop3A_150 = arith.constant 1 : i32
        %parallel_loop3A_151 = arith.addi %parallel_loop3A_127, %parallel_loop3A_150 : i32
        %parallel_loop3A_152 = arith.index_cast %parallel_loop3A_151 : i32 to index
        %parallel_loop3A_153 = arith.index_cast %mul3A_102 : i32 to index
        %parallel_loop3A_154 = tpu.vector_load %arg9[%parallel_loop3A_152, %parallel_loop3A_153] {strides = array<i32>} : memref<200x128xi32, #tpu.memory_space<vmem>>, vector<16xi32>,
        %parallel_loop3A_155 = tpu.vector_load_idx %arg6[%parallel_loop3A_154] : memref<30720xi32, #tpu.memory_space<vmem>>[vector<16xi32>], vector<16xi32>,
        %parallel_loop3A_156 = tpu.vector_load_idx %arg7[%parallel_loop3A_154] : memref<30720xf32, #tpu.memory_space<vmem>>[vector<16xi32>], vector<16xf32>,
        %parallel_loop3A_157 = arith.constant 16 : i32
        %parallel_loop3A_158 = vector.broadcast %parallel_loop3A_157 : i32 to vector<16xi32>
        %parallel_loop3A_159 = arith.shli %parallel_loop3A_155, %parallel_loop3A_158 : vector<16xi32>
        %parallel_loop3A_160 = vector.bitcast %parallel_loop3A_159 : vector<16xi32> to vector<16xf32>
        %parallel_loop3A_161 = arith.andi %parallel_loop3A_155, %broadcast_in_dim3A_37 : vector<16xi32>
        %parallel_loop3A_162 = vector.bitcast %parallel_loop3A_161 : vector<16xi32> to vector<16xf32>
        %parallel_loop3A_163 = arith.addf %parallel_loop3A_131, %parallel_loop3A_160 : vector<16xf32>
        %parallel_loop3A_164 = arith.addf %parallel_loop3A_132, %parallel_loop3A_162 : vector<16xf32>
        %parallel_loop3A_165 = arith.addf %parallel_loop3A_133, %parallel_loop3A_156 : vector<16xf32>
        %parallel_loop3A_166 = arith.constant 2 : i32
        %parallel_loop3A_167 = arith.addi %parallel_loop3A_127, %parallel_loop3A_166 : i32
        %parallel_loop3A_168 = arith.index_cast %parallel_loop3A_167 : i32 to index
        %parallel_loop3A_169 = arith.index_cast %mul3A_102 : i32 to index
        %parallel_loop3A_170 = tpu.vector_load %arg9[%parallel_loop3A_168, %parallel_loop3A_169] {strides = array<i32>} : memref<200x128xi32, #tpu.memory_space<vmem>>, vector<16xi32>,
        %parallel_loop3A_171 = tpu.vector_load_idx %arg6[%parallel_loop3A_170] : memref<30720xi32, #tpu.memory_space<vmem>>[vector<16xi32>], vector<16xi32>,
        %parallel_loop3A_172 = tpu.vector_load_idx %arg7[%parallel_loop3A_170] : memref<30720xf32, #tpu.memory_space<vmem>>[vector<16xi32>], vector<16xf32>,
        %parallel_loop3A_173 = arith.constant 16 : i32
        %parallel_loop3A_174 = vector.broadcast %parallel_loop3A_173 : i32 to vector<16xi32>
        %parallel_loop3A_175 = arith.shli %parallel_loop3A_171, %parallel_loop3A_174 : vector<16xi32>
        %parallel_loop3A_176 = vector.bitcast %parallel_loop3A_175 : vector<16xi32> to vector<16xf32>
        %parallel_loop3A_177 = arith.andi %parallel_loop3A_171, %broadcast_in_dim3A_37 : vector<16xi32>
        %parallel_loop3A_178 = vector.bitcast %parallel_loop3A_177 : vector<16xi32> to vector<16xf32>
        %parallel_loop3A_179 = arith.addf %parallel_loop3A_147, %parallel_loop3A_176 : vector<16xf32>
        %parallel_loop3A_180 = arith.addf %parallel_loop3A_148, %parallel_loop3A_178 : vector<16xf32>
        %parallel_loop3A_181 = arith.addf %parallel_loop3A_149, %parallel_loop3A_172 : vector<16xf32>
        %parallel_loop3A_182 = arith.constant 3 : i32
        %parallel_loop3A_183 = arith.addi %parallel_loop3A_127, %parallel_loop3A_182 : i32
        %parallel_loop3A_184 = arith.index_cast %parallel_loop3A_183 : i32 to index
        %parallel_loop3A_185 = arith.index_cast %mul3A_102 : i32 to index
        %parallel_loop3A_186 = tpu.vector_load %arg9[%parallel_loop3A_184, %parallel_loop3A_185] {strides = array<i32>} : memref<200x128xi32, #tpu.memory_space<vmem>>, vector<16xi32>,
        %parallel_loop3A_187 = tpu.vector_load_idx %arg6[%parallel_loop3A_186] : memref<30720xi32, #tpu.memory_space<vmem>>[vector<16xi32>], vector<16xi32>,
        %parallel_loop3A_188 = tpu.vector_load_idx %arg7[%parallel_loop3A_186] : memref<30720xf32, #tpu.memory_space<vmem>>[vector<16xi32>], vector<16xf32>,
        %parallel_loop3A_189 = arith.constant 16 : i32
        %parallel_loop3A_190 = vector.broadcast %parallel_loop3A_189 : i32 to vector<16xi32>
        %parallel_loop3A_191 = arith.shli %parallel_loop3A_187, %parallel_loop3A_190 : vector<16xi32>
        %parallel_loop3A_192 = vector.bitcast %parallel_loop3A_191 : vector<16xi32> to vector<16xf32>
        %parallel_loop3A_193 = arith.andi %parallel_loop3A_187, %broadcast_in_dim3A_37 : vector<16xi32>
        %parallel_loop3A_194 = vector.bitcast %parallel_loop3A_193 : vector<16xi32> to vector<16xf32>
        %parallel_loop3A_195 = arith.addf %parallel_loop3A_163, %parallel_loop3A_192 : vector<16xf32>
        %parallel_loop3A_196 = arith.addf %parallel_loop3A_164, %parallel_loop3A_194 : vector<16xf32>
        %parallel_loop3A_197 = arith.addf %parallel_loop3A_165, %parallel_loop3A_188 : vector<16xf32>
        %parallel_loop3A_198 = arith.constant 4 : i32
        %parallel_loop3A_199 = arith.addi %parallel_loop3A_127, %parallel_loop3A_198 : i32
        %parallel_loop3A_200 = arith.index_cast %parallel_loop3A_199 : i32 to index
        %parallel_loop3A_201 = arith.index_cast %mul3A_102 : i32 to index
        %parallel_loop3A_202 = tpu.vector_load %arg9[%parallel_loop3A_200, %parallel_loop3A_201] {strides = array<i32>} : memref<200x128xi32, #tpu.memory_space<vmem>>, vector<16xi32>,
        %parallel_loop3A_203 = tpu.vector_load_idx %arg6[%parallel_loop3A_202] : memref<30720xi32, #tpu.memory_space<vmem>>[vector<16xi32>], vector<16xi32>,
        %parallel_loop3A_204 = tpu.vector_load_idx %arg7[%parallel_loop3A_202] : memref<30720xf32, #tpu.memory_space<vmem>>[vector<16xi32>], vector<16xf32>,
        %parallel_loop3A_205 = arith.constant 16 : i32
        %parallel_loop3A_206 = vector.broadcast %parallel_loop3A_205 : i32 to vector<16xi32>
        %parallel_loop3A_207 = arith.shli %parallel_loop3A_203, %parallel_loop3A_206 : vector<16xi32>
        %parallel_loop3A_208 = vector.bitcast %parallel_loop3A_207 : vector<16xi32> to vector<16xf32>
        %parallel_loop3A_209 = arith.andi %parallel_loop3A_203, %broadcast_in_dim3A_37 : vector<16xi32>
        %parallel_loop3A_210 = vector.bitcast %parallel_loop3A_209 : vector<16xi32> to vector<16xf32>
        %parallel_loop3A_211 = arith.addf %parallel_loop3A_179, %parallel_loop3A_208 : vector<16xf32>
        %parallel_loop3A_212 = arith.addf %parallel_loop3A_180, %parallel_loop3A_210 : vector<16xf32>
        %parallel_loop3A_213 = arith.addf %parallel_loop3A_181, %parallel_loop3A_204 : vector<16xf32>
        %parallel_loop3A_214 = arith.constant 5 : i32
        %parallel_loop3A_215 = arith.addi %parallel_loop3A_127, %parallel_loop3A_214 : i32
        %parallel_loop3A_216 = arith.index_cast %parallel_loop3A_215 : i32 to index
        %parallel_loop3A_217 = arith.index_cast %mul3A_102 : i32 to index
        %parallel_loop3A_218 = tpu.vector_load %arg9[%parallel_loop3A_216, %parallel_loop3A_217] {strides = array<i32>} : memref<200x128xi32, #tpu.memory_space<vmem>>, vector<16xi32>,
        %parallel_loop3A_219 = tpu.vector_load_idx %arg6[%parallel_loop3A_218] : memref<30720xi32, #tpu.memory_space<vmem>>[vector<16xi32>], vector<16xi32>,
        %parallel_loop3A_220 = tpu.vector_load_idx %arg7[%parallel_loop3A_218] : memref<30720xf32, #tpu.memory_space<vmem>>[vector<16xi32>], vector<16xf32>,
        %parallel_loop3A_221 = arith.constant 16 : i32
        %parallel_loop3A_222 = vector.broadcast %parallel_loop3A_221 : i32 to vector<16xi32>
        %parallel_loop3A_223 = arith.shli %parallel_loop3A_219, %parallel_loop3A_222 : vector<16xi32>
        %parallel_loop3A_224 = vector.bitcast %parallel_loop3A_223 : vector<16xi32> to vector<16xf32>
        %parallel_loop3A_225 = arith.andi %parallel_loop3A_219, %broadcast_in_dim3A_37 : vector<16xi32>
        %parallel_loop3A_226 = vector.bitcast %parallel_loop3A_225 : vector<16xi32> to vector<16xf32>
        %parallel_loop3A_227 = arith.addf %parallel_loop3A_195, %parallel_loop3A_224 : vector<16xf32>
        %parallel_loop3A_228 = arith.addf %parallel_loop3A_196, %parallel_loop3A_226 : vector<16xf32>
        %parallel_loop3A_229 = arith.addf %parallel_loop3A_197, %parallel_loop3A_220 : vector<16xf32>
        %parallel_loop3A_230 = arith.constant 6 : i32
        %parallel_loop3A_231 = arith.addi %parallel_loop3A_127, %parallel_loop3A_230 : i32
        %parallel_loop3A_232 = arith.index_cast %parallel_loop3A_231 : i32 to index
        %parallel_loop3A_233 = arith.index_cast %mul3A_102 : i32 to index
        %parallel_loop3A_234 = tpu.vector_load %arg9[%parallel_loop3A_232, %parallel_loop3A_233] {strides = array<i32>} : memref<200x128xi32, #tpu.memory_space<vmem>>, vector<16xi32>,
        %parallel_loop3A_235 = tpu.vector_load_idx %arg6[%parallel_loop3A_234] : memref<30720xi32, #tpu.memory_space<vmem>>[vector<16xi32>], vector<16xi32>,
        %parallel_loop3A_236 = tpu.vector_load_idx %arg7[%parallel_loop3A_234] : memref<30720xf32, #tpu.memory_space<vmem>>[vector<16xi32>], vector<16xf32>,
        %parallel_loop3A_237 = arith.constant 16 : i32
        %parallel_loop3A_238 = vector.broadcast %parallel_loop3A_237 : i32 to vector<16xi32>
        %parallel_loop3A_239 = arith.shli %parallel_loop3A_235, %parallel_loop3A_238 : vector<16xi32>
        %parallel_loop3A_240 = vector.bitcast %parallel_loop3A_239 : vector<16xi32> to vector<16xf32>
        %parallel_loop3A_241 = arith.andi %parallel_loop3A_235, %broadcast_in_dim3A_37 : vector<16xi32>
        %parallel_loop3A_242 = vector.bitcast %parallel_loop3A_241 : vector<16xi32> to vector<16xf32>
        %parallel_loop3A_243 = arith.addf %parallel_loop3A_211, %parallel_loop3A_240 : vector<16xf32>
        %parallel_loop3A_244 = arith.addf %parallel_loop3A_212, %parallel_loop3A_242 : vector<16xf32>
        %parallel_loop3A_245 = arith.addf %parallel_loop3A_213, %parallel_loop3A_236 : vector<16xf32>
        %parallel_loop3A_246 = arith.constant 7 : i32
        %parallel_loop3A_247 = arith.addi %parallel_loop3A_127, %parallel_loop3A_246 : i32
        %parallel_loop3A_248 = arith.index_cast %parallel_loop3A_247 : i32 to index
        %parallel_loop3A_249 = arith.index_cast %mul3A_102 : i32 to index
        %parallel_loop3A_250 = tpu.vector_load %arg9[%parallel_loop3A_248, %parallel_loop3A_249] {strides = array<i32>} : memref<200x128xi32, #tpu.memory_space<vmem>>, vector<16xi32>,
        %parallel_loop3A_251 = tpu.vector_load_idx %arg6[%parallel_loop3A_250] : memref<30720xi32, #tpu.memory_space<vmem>>[vector<16xi32>], vector<16xi32>,
        %parallel_loop3A_252 = tpu.vector_load_idx %arg7[%parallel_loop3A_250] : memref<30720xf32, #tpu.memory_space<vmem>>[vector<16xi32>], vector<16xf32>,
        %parallel_loop3A_253 = arith.constant 16 : i32
        %parallel_loop3A_254 = vector.broadcast %parallel_loop3A_253 : i32 to vector<16xi32>
        %parallel_loop3A_255 = arith.shli %parallel_loop3A_251, %parallel_loop3A_254 : vector<16xi32>
        %parallel_loop3A_256 = vector.bitcast %parallel_loop3A_255 : vector<16xi32> to vector<16xf32>
        %parallel_loop3A_257 = arith.andi %parallel_loop3A_251, %broadcast_in_dim3A_37 : vector<16xi32>
        %parallel_loop3A_258 = vector.bitcast %parallel_loop3A_257 : vector<16xi32> to vector<16xf32>
        %parallel_loop3A_259 = arith.addf %parallel_loop3A_227, %parallel_loop3A_256 : vector<16xf32>
        %parallel_loop3A_260 = arith.addf %parallel_loop3A_228, %parallel_loop3A_258 : vector<16xf32>
        %parallel_loop3A_261 = arith.addf %parallel_loop3A_229, %parallel_loop3A_252 : vector<16xf32>
        scf.yield %parallel_loop3A_243, %parallel_loop3A_244, %parallel_loop3A_245, %parallel_loop3A_259, %parallel_loop3A_260, %parallel_loop3A_261 : vector<16xf32>, vector<16xf32>, vector<16xf32>, vector<16xf32>, vector<16xf32>, vector<16xf32>
      } {sc.loop_unroll_factor = 1 : i64, sc.parallel_access}
      %add3A_106 = arith.addf %parallel_loop3A_105#0, %parallel_loop3A_105#3 : vector<16xf32>
      %add3A_107 = arith.constant 384 : i32
      %add3A_108 = arith.addi %add3A_107, %mul3A_102 : i32
      %swap3A = arith.constant 0 : i32
      %swap3A_109 = arith.index_cast %swap3A : i32 to index
      %swap3A_110 = arith.index_cast %add3A_108 : i32 to index
      %swap3A_111 = tpu.vector_load %arg10[%swap3A_109, %swap3A_110] {strides = array<i32>} : memref<1x512xf32, #tpu.memory_space<vmem>>, vector<16xf32>,
      tpu.vector_store %arg10[%swap3A_109, %swap3A_110], %add3A_106 {strides = array<i32>} : memref<1x512xf32, #tpu.memory_space<vmem>>, vector<16xf32>,
      %add3A_112 = arith.addf %parallel_loop3A_105#1, %parallel_loop3A_105#4 : vector<16xf32>
      %add3A_113 = arith.constant 384 : i32
      %add3A_114 = arith.addi %add3A_113, %mul3A_102 : i32
      %swap3A_115 = arith.constant 0 : i32
      %swap3A_116 = arith.index_cast %swap3A_115 : i32 to index
      %swap3A_117 = arith.index_cast %add3A_114 : i32 to index
      %swap3A_118 = tpu.vector_load %arg11[%swap3A_116, %swap3A_117] {strides = array<i32>} : memref<1x512xf32, #tpu.memory_space<vmem>>, vector<16xf32>,
      tpu.vector_store %arg11[%swap3A_116, %swap3A_117], %add3A_112 {strides = array<i32>} : memref<1x512xf32, #tpu.memory_space<vmem>>, vector<16xf32>,
      %add3A_119 = arith.addf %parallel_loop3A_105#2, %parallel_loop3A_105#5 : vector<16xf32>
      %add3A_120 = arith.constant 384 : i32
      %add3A_121 = arith.addi %add3A_120, %mul3A_102 : i32
      %swap3A_122 = arith.constant 0 : i32
      %swap3A_123 = arith.index_cast %swap3A_122 : i32 to index
      %swap3A_124 = arith.index_cast %add3A_121 : i32 to index
      %swap3A_125 = tpu.vector_load %arg12[%swap3A_123, %swap3A_124] {strides = array<i32>} : memref<1x512xf32, #tpu.memory_space<vmem>>, vector<16xf32>,
      tpu.vector_store %arg12[%swap3A_123, %swap3A_124], %add3A_119 {strides = array<i32>} : memref<1x512xf32, #tpu.memory_space<vmem>>, vector<16xf32>,
      %scan3A_126 = arith.constant 0 : i32
      scf.yield %scan3A_126 : i32
    }
    %scan3A_98 = arith.constant 8 : i32
    "tpu.region"() ({
      %run_scoped3A = tpu.sem_alloc : memref<!tpu.dma_semaphore, #tpu.memory_space<semaphore_mem>>
      %dma_start3A_99 = arith.constant 0 : i32
      %dma_start3A_100 = tpu.memref_slice %arg5[%dma_start3A_99, %mul3A_2] : memref<3x16384xf32, #tpu.memory_space<hbm>> -> memref<1x512xf32, #tpu.memory_space<hbm>>
      %dma_start3A_101 = arith.constant 0 : i32
      %dma_start3A_102 = tpu.memref_slice %arg5[%dma_start3A_101, %mul3A_2] : memref<3x16384xf32, #tpu.memory_space<hbm>> -> memref<1x512xf32, #tpu.memory_space<hbm>>
      tpu.enqueue_dma source(%arg10 : memref<1x512xf32, #tpu.memory_space<vmem>>) target(%dma_start3A_102 : memref<1x512xf32, #tpu.memory_space<hbm>>) target_semaphore(%run_scoped3A : memref<!tpu.dma_semaphore, #tpu.memory_space<semaphore_mem>>)
      %dma_wait3A_103 = arith.constant 0 : i32
      %dma_wait3A_104 = tpu.memref_slice %arg5[%dma_wait3A_103, %mul3A_2] : memref<3x16384xf32, #tpu.memory_space<hbm>> -> memref<1x512xf32, #tpu.memory_space<hbm>>
      %dma_wait3A_105 = arith.constant 0 : i32
      %dma_wait3A_106 = tpu.memref_slice %arg5[%dma_wait3A_105, %mul3A_2] : memref<3x16384xf32, #tpu.memory_space<hbm>> -> memref<1x512xf32, #tpu.memory_space<hbm>>
      tpu.wait_dma2 semaphore(%run_scoped3A : memref<!tpu.dma_semaphore, #tpu.memory_space<semaphore_mem>>) src(%arg10 : memref<1x512xf32, #tpu.memory_space<vmem>>) dst(%dma_wait3A_106 : memref<1x512xf32, #tpu.memory_space<hbm>>)
      tpu.yield
    }) : () -> ()
    "tpu.region"() ({
      %run_scoped3A = tpu.sem_alloc : memref<!tpu.dma_semaphore, #tpu.memory_space<semaphore_mem>>
      %dma_start3A_99 = arith.constant 1 : i32
      %dma_start3A_100 = tpu.memref_slice %arg5[%dma_start3A_99, %mul3A_2] : memref<3x16384xf32, #tpu.memory_space<hbm>> -> memref<1x512xf32, #tpu.memory_space<hbm>>
      %dma_start3A_101 = arith.constant 1 : i32
      %dma_start3A_102 = tpu.memref_slice %arg5[%dma_start3A_101, %mul3A_2] : memref<3x16384xf32, #tpu.memory_space<hbm>> -> memref<1x512xf32, #tpu.memory_space<hbm>>
      tpu.enqueue_dma source(%arg11 : memref<1x512xf32, #tpu.memory_space<vmem>>) target(%dma_start3A_102 : memref<1x512xf32, #tpu.memory_space<hbm>>) target_semaphore(%run_scoped3A : memref<!tpu.dma_semaphore, #tpu.memory_space<semaphore_mem>>)
      %dma_wait3A_103 = arith.constant 1 : i32
      %dma_wait3A_104 = tpu.memref_slice %arg5[%dma_wait3A_103, %mul3A_2] : memref<3x16384xf32, #tpu.memory_space<hbm>> -> memref<1x512xf32, #tpu.memory_space<hbm>>
      %dma_wait3A_105 = arith.constant 1 : i32
      %dma_wait3A_106 = tpu.memref_slice %arg5[%dma_wait3A_105, %mul3A_2] : memref<3x16384xf32, #tpu.memory_space<hbm>> -> memref<1x512xf32, #tpu.memory_space<hbm>>
      tpu.wait_dma2 semaphore(%run_scoped3A : memref<!tpu.dma_semaphore, #tpu.memory_space<semaphore_mem>>) src(%arg11 : memref<1x512xf32, #tpu.memory_space<vmem>>) dst(%dma_wait3A_106 : memref<1x512xf32, #tpu.memory_space<hbm>>)
      tpu.yield
    }) : () -> ()
    "tpu.region"() ({
      %run_scoped3A = tpu.sem_alloc : memref<!tpu.dma_semaphore, #tpu.memory_space<semaphore_mem>>
      %dma_start3A_99 = arith.constant 2 : i32
      %dma_start3A_100 = tpu.memref_slice %arg5[%dma_start3A_99, %mul3A_2] : memref<3x16384xf32, #tpu.memory_space<hbm>> -> memref<1x512xf32, #tpu.memory_space<hbm>>
      %dma_start3A_101 = arith.constant 2 : i32
      %dma_start3A_102 = tpu.memref_slice %arg5[%dma_start3A_101, %mul3A_2] : memref<3x16384xf32, #tpu.memory_space<hbm>> -> memref<1x512xf32, #tpu.memory_space<hbm>>
      tpu.enqueue_dma source(%arg12 : memref<1x512xf32, #tpu.memory_space<vmem>>) target(%dma_start3A_102 : memref<1x512xf32, #tpu.memory_space<hbm>>) target_semaphore(%run_scoped3A : memref<!tpu.dma_semaphore, #tpu.memory_space<semaphore_mem>>)
      %dma_wait3A_103 = arith.constant 2 : i32
      %dma_wait3A_104 = tpu.memref_slice %arg5[%dma_wait3A_103, %mul3A_2] : memref<3x16384xf32, #tpu.memory_space<hbm>> -> memref<1x512xf32, #tpu.memory_space<hbm>>
      %dma_wait3A_105 = arith.constant 2 : i32
      %dma_wait3A_106 = tpu.memref_slice %arg5[%dma_wait3A_105, %mul3A_2] : memref<3x16384xf32, #tpu.memory_space<hbm>> -> memref<1x512xf32, #tpu.memory_space<hbm>>
      tpu.wait_dma2 semaphore(%run_scoped3A : memref<!tpu.dma_semaphore, #tpu.memory_space<semaphore_mem>>) src(%arg12 : memref<1x512xf32, #tpu.memory_space<vmem>>) dst(%dma_wait3A_106 : memref<1x512xf32, #tpu.memory_space<hbm>>)
      tpu.yield
    }) : () -> ()
    return
  }
}

module attributes {stable_mosaic.version = 14 : i64} {
  func.func @_proj_body(%arg0: i32, %arg1: memref<3x128xf32, #tpu.memory_space<vmem>>, %arg2: memref<3x1xf32, #tpu.memory_space<vmem>>, %arg3: memref<15360x128xf32, #tpu.memory_space<vmem>>, %arg4: memref<1x15360xi32, #tpu.memory_space<vmem>>, %arg5: memref<1x15360xf32, #tpu.memory_space<vmem>>) attributes {dimension_semantics = [#tpu.dimension_semantics<arbitrary>], iteration_bounds = array<i64: 2>, scalar_prefetch = 0 : i64, scratch_operands = 0 : i64, tpu.core_type = #tpu.core_type<tc>, window_params = [{pipeline_mode = #tpu.pipeline_mode<synchronous>, transform_indices = @transform_0, window_bounds = array<i64: 3, 128>}, {pipeline_mode = #tpu.pipeline_mode<synchronous>, transform_indices = @transform_1, window_bounds = array<i64: 3, 1>}, {transform_indices = @transform_2, window_bounds = array<i64: 15360, 128>}, {transform_indices = @transform_3, window_bounds = array<i64: 1, 15360>}, {transform_indices = @transform_4, window_bounds = array<i64: 1, 15360>}]} {
    %get3A = arith.constant 0 : index
    %get3A_0 = arith.constant 0 : index
    %get3A_1 = vector.load %arg1[%get3A, %get3A_0] : memref<3x128xf32, #tpu.memory_space<vmem>>, vector<3x128xf32>
    %mul3A = arith.constant 5.000000e-03 : f32
    %mul3A_2 = vector.broadcast %mul3A : f32 to vector<3x128xf32>
    %mul3A_3 = arith.mulf %get3A_1, %mul3A_2 : vector<3x128xf32>
    %get3A_4 = arith.constant 0 : index
    %get3A_5 = arith.constant 0 : index
    %get3A_6 = vector.load %arg3[%get3A_4, %get3A_5] : memref<15360x128xf32, #tpu.memory_space<vmem>>, vector<15360x128xf32>
    %dot_general3A = arith.constant dense<0.000000e+00> : vector<3x15360xf32>
    %dot_general3A_7 = tpu.matmul %mul3A_3, %get3A_6, %dot_general3A {dimension_numbers = #tpu.dot_dimension_numbers<[1], [1], [0], [0], [0, 0, 1, 0], [], []>, transpose_lhs_hint = false} : vector<3x128xf32>, vector<15360x128xf32>, vector<3x15360xf32> -> vector<3x15360xf32>
    %get3A_8 = arith.constant 0 : index
    %get3A_9 = arith.constant 0 : index
    %get3A_10 = vector.load %arg2[%get3A_8, %get3A_9] : memref<3x1xf32, #tpu.memory_space<vmem>>, vector<3x1xf32>
    %mul3A_11 = arith.constant 5.000000e-03 : f32
    %mul3A_12 = vector.broadcast %mul3A_11 : f32 to vector<3x1xf32>
    %mul3A_13 = arith.mulf %get3A_10, %mul3A_12 : vector<3x1xf32>
    %add3A = vector.broadcast %mul3A_13 : vector<3x1xf32> to vector<3x15360xf32>
    %add3A_14 = arith.addf %dot_general3A_7, %add3A : vector<3x15360xf32>
    %slice3A = vector.extract_strided_slice %add3A_14 {offsets = [0, 0], sizes = [1, 15360], strides = [1, 1]} : vector<3x15360xf32> to vector<1x15360xf32>
    %bitcast_convert_type3A = tpu.bitcast %slice3A : vector<1x15360xf32> -> vector<1x15360xi32>
    %add3A_15 = arith.constant 32768 : i32
    %add3A_16 = vector.broadcast %add3A_15 : i32 to vector<1x15360xi32>
    %add3A_17 = arith.addi %bitcast_convert_type3A, %add3A_16 : vector<1x15360xi32>
    %slice3A_18 = vector.extract_strided_slice %add3A_14 {offsets = [1, 0], sizes = [1, 15360], strides = [1, 1]} : vector<3x15360xf32> to vector<1x15360xf32>
    %bitcast_convert_type3A_19 = tpu.bitcast %slice3A_18 : vector<1x15360xf32> -> vector<1x15360xi32>
    %add3A_20 = arith.constant 32768 : i32
    %add3A_21 = vector.broadcast %add3A_20 : i32 to vector<1x15360xi32>
    %add3A_22 = arith.addi %bitcast_convert_type3A_19, %add3A_21 : vector<1x15360xi32>
    %shift_right_logical3A = arith.constant 16 : i32
    %shift_right_logical3A_23 = vector.broadcast %shift_right_logical3A : i32 to vector<1x15360xi32>
    %shift_right_logical3A_24 = arith.shrui %add3A_17, %shift_right_logical3A_23 : vector<1x15360xi32>
    %and3A = arith.constant -65536 : i32
    %and3A_25 = vector.broadcast %and3A : i32 to vector<1x15360xi32>
    %and3A_26 = arith.andi %add3A_22, %and3A_25 : vector<1x15360xi32>
    %or3A = arith.ori %shift_right_logical3A_24, %and3A_26 : vector<1x15360xi32>
    %bitcast_convert_type3A_27 = tpu.bitcast %or3A : vector<1x15360xi32> -> vector<1x15360xi32>
    %swap3A = arith.constant 0 : index
    %swap3A_28 = arith.constant 0 : index
    %swap3A_29 = vector.load %arg4[%swap3A, %swap3A_28] : memref<1x15360xi32, #tpu.memory_space<vmem>>, vector<1x15360xi32>
    tpu.vector_store %arg4[%swap3A, %swap3A_28], %bitcast_convert_type3A_27 {strides = array<i32>} : memref<1x15360xi32, #tpu.memory_space<vmem>>, vector<1x15360xi32>,
    %slice3A_30 = vector.extract_strided_slice %add3A_14 {offsets = [2, 0], sizes = [1, 15360], strides = [1, 1]} : vector<3x15360xf32> to vector<1x15360xf32>
    %swap3A_31 = arith.constant 0 : index
    %swap3A_32 = arith.constant 0 : index
    %swap3A_33 = vector.load %arg5[%swap3A_31, %swap3A_32] : memref<1x15360xf32, #tpu.memory_space<vmem>>, vector<1x15360xf32>
    tpu.vector_store %arg5[%swap3A_31, %swap3A_32], %slice3A_30 {strides = array<i32>} : memref<1x15360xf32, #tpu.memory_space<vmem>>, vector<1x15360xf32>,
    return
  }
  func.func @transform_0(%arg0: i32) -> (i32, i32) {
    %c0_i32 = arith.constant 0 : i32
    %c0_i32_0 = arith.constant 0 : i32
    %c0_i32_1 = arith.constant 0 : i32
    return %c0_i32, %c0_i32_0 : i32, i32
  }
  func.func @transform_1(%arg0: i32) -> (i32, i32) {
    %c0_i32 = arith.constant 0 : i32
    %c0_i32_0 = arith.constant 0 : i32
    %c0_i32_1 = arith.constant 0 : i32
    return %c0_i32, %c0_i32_0 : i32, i32
  }
  func.func @transform_2(%arg0: i32) -> (i32, i32) {
    %c0_i32 = arith.constant 0 : i32
    %c0_i32_0 = arith.constant 0 : i32
    return %arg0, %c0_i32 : i32, i32
  }
  func.func @transform_3(%arg0: i32) -> (i32, i32) {
    %c0_i32 = arith.constant 0 : i32
    %c0_i32_0 = arith.constant 0 : i32
    return %c0_i32, %arg0 : i32, i32
  }
  func.func @transform_4(%arg0: i32) -> (i32, i32) {
    %c0_i32 = arith.constant 0 : i32
    %c0_i32_0 = arith.constant 0 : i32
    return %c0_i32, %arg0 : i32, i32
  }
}

</mosaic_0001>

<sc_bundles>
// kernel: kernel.4.cloned.1.call-start
scs
__scs_entry_jumppad:
0x0: {  	(pc) =	sbr.rel $0x88, $3  }
0x1: {  	(tag) =	ssettag $0x0;
	lr =	simm.s32 $0x1  }
0x2: {  	[smem:$0x3F9D] =	sst lr;
	_ =	strace $0xD0000000  }
0x3: {  	_ = 	snop  }
0x4: {  	_ = 	snop  }
0x5: {  	_ = 	snop  }
0x6: {  	_ = 	snop  }
0x7: {  	_ = 	snop  }
__scs_overlays_trampoline_lowered:
0x8: {  	[smem:$0x3FAC] =	sst s0  }
0x9: {  	[smem:$0x3FAD] =	sst s1  }
0xa: {  	[smem:$0x3FAE] =	sst s2  }
0xb: {  	[smem:$0x3FAF] =	sst s3  }
0xc: {  	[smem:$0x3FB0] =	sst s4  }
0xd: {  	[smem:$0x3FB1] =	sst s5  }
0xe: {  	[smem:$0x3FB2] =	sst s6  }
0xf: {  	[smem:$0x3FB3] =	sst s7  }
0x10: {  	[smem:$0x3FB4] =	sst s8  }
0x11: {  	[smem:$0x3FB5] =	sst s9;
	s0 =	simm.s32 @!p0 $0x0  }
0x12: {  	s1 =	sld [smem:$0x3F9B];
	s0 =	simm.s32 @p0 $0x1  }
0x13: {  	[smem:$0x3FB6] =	sst s0;
	s0 =	simm.s32 @!p1 $0x0  }
0x14: {  	s2 =	sld [smem:$0x3F9A];
	s0 =	simm.s32 @p1 $0x1  }
0x15: {  	[smem:$0x3FB7] =	sst s0;
	s0 =	simm.s32 @!p2 $0x0  }
0x16: {  	s3 =	sld [smem:$0x3FDB];
	s0 =	simm.s32 @p2 $0x1  }
0x17: {  	s4 =	simm.s32 $0x1BF5;
	[smem:$0x3FB9] =	sst s0  }
0x18: {  	s0 =	sld [smem:$0x3F9C];
	_ =	swait.ge [sflag:s4], $0x0  }
0x19: {  	s7 =	sld [smem:$0x3F9D]  }
0x1a: {  	s8 =	sadd.s32 $0xFFFFE003, lr  }
0x1b: {  	s9 =	sadd.s32 $0xFFFFFEF7, lr;
	s5 =	simm.s32 $0xFFFFFFFF;
	p2 =	slt.u32 s8, $0xFFFFF086  }
0x1c: {  	p1 =	slt.u32 s9, $0xF7A;
	s5 =	simm.s32 @!p2 $0x0  }
0x1d: {  	s5 =	simm.s32 @p1 $0x1;
	p0 =	seq.s32 s7, s2  }
0x1e: {  	s7 =	smul.u32 @!p0 $0xF7A, s2;
	p2 =	seq.s32 @!p0 s5, $0x0  }
0x1f: {  	s9 =	smul.u32 $0xF7A, s1;
	s8 =	simm.s32 @!p0 $0x1BF5;
	p2 =	por !p2, p0  }
0x20: {  	[sflag:s8] =	ssyncset.s32 @!p0 $0xFFFFF086;
	s6 =	sadd.s32 @!p0 s3, s7;
	s7 =	simm.s32 @!p0 $0x108  }
0x21: {  	s3 =	sadd.s32 s3, s9;
	s6 =	sadd.s32 @!p0 $0x88, s6;
	s7 =	simm.s32 @p2 $0x1082  }
0x22: {  	[simem:s7], [sflag:s8] =	dma.local @!p0 [hbm:s6], $0xF7A  }
0x23: {  	s9 =	sor.u32 $0xD0000000, s2;
	s6 =	simm.s32 $0x108;
	_ =	swait.ge @!p0 [sflag:s8], $0x0  }
0x24: {  	s3 =	sadd.s32 $0x88, s3;
	s6 =	simm.s32 @!p1 $0x1082;
	[sflag:s4] =	ssyncset.s32 $0xFFFFF086  }
0x25: {  	[simem:s6], [sflag:s4] =	dma.local [hbm:s3], $0xF7A  }
0x26: {  	[smem:$0x3F9D] =	sst s1;
	(tag) =	ssettag s2;
	_ =	strace s9  }
0x27: {  	s1 =	sld [smem:$0x3FAD]  }
0x28: {  	s2 =	sld [smem:$0x3FAE]  }
0x29: {  	s4 =	sld [smem:$0x3FB0]  }
0x2a: {  	p0 =	seq.s32 s5, $0x0;
	s5 =	sld [smem:$0x3FB1]  }
0x2b: {  	s6 =	sld [smem:$0x3FB2]  }
0x2c: {  	s7 =	sld [smem:$0x3FB3]  }
0x2d: {  	s3 =	simm.s32 $0x108;
	s8 =	sld [smem:$0x3FB4]  }
0x2e: {  	s3 =	simm.s32 @!p0 $0x1082;
	s9 =	sld [smem:$0x3FB5]  }
0x2f: {  	lr =	sadd.s32 s0, s3;
	s0 =	sld [smem:$0x3FAC]  }
0x30: {  	s3 =	sld [smem:$0x3FAF]  }
0x31: {  	[smem:$0x3FB8] =	sst s10  }
0x32: {  	s10 =	sld [smem:$0x3FB6];
	_ =	sdelay $0x3  }
0x33: {  	p0 =	seq.s32 s10, $0x1;
	s10 =	sld [smem:$0x3FB8];
	_ =	sdelay $0x3  }
0x34: {  	[smem:$0x3FB8] =	sst s10  }
0x35: {  	s10 =	sld [smem:$0x3FB7];
	_ =	sdelay $0x3  }
0x36: {  	p1 =	seq.s32 s10, $0x1;
	s10 =	sld [smem:$0x3FB8];
	_ =	sdelay $0x3  }
0x37: {  	[smem:$0x3FB8] =	sst s10  }
0x38: {  	s10 =	sld [smem:$0x3FB9]  }
0x39: {  	_ = 	snop;
	(pc) =	sbr.ind lr, $3  }
0x3a: {  	_ = 	snop  }
0x3b: {  	_ = 	snop  }
0x3c: {  	p2 =	seq.s32 s10, $0x1;
	s10 =	sld [smem:$0x3FB8]  }
0x3d: {  	_ =	shalt  }
0x3e: {  	_ =	shalt  }
0x3f: {  	_ =	shalt  }
0x40: {  	_ =	shalt  }
0x41: {  	_ =	shalt  }
0x42: {  	_ =	shalt  }
0x43: {  	_ =	shalt  }
0x44: {  	_ =	shalt  }
0x45: {  	_ =	shalt  }
0x46: {  	_ =	shalt  }
0x47: {  	_ =	shalt  }
0x48: {  	_ =	shalt  }
0x49: {  	_ =	shalt  }
0x4a: {  	_ =	shalt  }
0x4b: {  	_ =	shalt  }
0x4c: {  	_ =	shalt  }
0x4d: {  	_ =	shalt  }
0x4e: {  	_ =	shalt  }
0x4f: {  	_ =	shalt  }
0x50: {  	_ =	shalt  }
0x51: {  	_ =	shalt  }
0x52: {  	_ =	shalt  }
0x53: {  	_ =	shalt  }
0x54: {  	_ =	shalt  }
0x55: {  	_ =	shalt  }
0x56: {  	_ =	shalt  }
0x57: {  	_ =	shalt  }
0x58: {  	_ =	shalt  }
0x59: {  	_ =	shalt  }
0x5a: {  	_ =	shalt  }
0x5b: {  	_ =	shalt  }
0x5c: {  	_ =	shalt  }
0x5d: {  	_ =	shalt  }
0x5e: {  	_ =	shalt  }
0x5f: {  	_ =	shalt  }
0x60: {  	_ =	shalt  }
0x61: {  	_ =	shalt  }
0x62: {  	_ =	shalt  }
0x63: {  	_ =	shalt  }
0x64: {  	_ =	shalt  }
0x65: {  	_ =	shalt  }
0x66: {  	_ =	shalt  }
0x67: {  	_ =	shalt  }
0x68: {  	_ =	shalt  }
0x69: {  	_ =	shalt  }
0x6a: {  	_ =	shalt  }
0x6b: {  	_ =	shalt  }
0x6c: {  	_ =	shalt  }
0x6d: {  	_ =	shalt  }
0x6e: {  	_ =	shalt  }
0x6f: {  	_ =	shalt  }
0x70: {  	_ =	shalt  }
0x71: {  	_ =	shalt  }
0x72: {  	_ =	shalt  }
0x73: {  	_ =	shalt  }
0x74: {  	_ =	shalt  }
0x75: {  	_ =	shalt  }
0x76: {  	_ =	shalt  }
0x77: {  	_ =	shalt  }
0x78: {  	_ =	shalt  }
0x79: {  	_ =	shalt  }
0x7a: {  	_ =	shalt  }
0x7b: {  	_ =	shalt  }
0x7c: {  	_ =	shalt  }
0x7d: {  	_ =	shalt  }
0x7e: {  	_ =	shalt  }
0x7f: {  	_ =	shalt  }
0x80: {  	_ =	shalt  }
0x81: {  	_ =	shalt  }
0x82: {  	_ =	shalt  }
0x83: {  	_ =	shalt  }
0x84: {  	_ =	shalt  }
0x85: {  	_ =	shalt  }
0x86: {  	_ =	shalt  }
0x87: {  	_ =	shalt  }
.Lfunc_end0:
.L_simem_size_0:
called_computation_lowered:
.L_overlay_start_0:
0x88: {  	s2 =	sld [smem:$0x3FD9]  }
0x89: {  	s3 =	sld [smem:$0x3FFE];
	_ =	sdelay $0x1  }
0x8a: {  	s1 =	srdreg.scid  }
0x8b: {  	s0 =	sand.u32 $0x1, s1  }
0x8c: {  	s17 =	sshll.u32 s0, $0xA;
	s2 =	sadd.s32 s3, s2  }
0x8d: {  	s2 =	sadd.s32 s2, s17  }
0x8e: {  	[smem:$0x3FC4] =	sst s2  }
0x8f: {  	_ = 	snop  }
0x90: {  	s2 =	sld [smem:$0x3FC9]  }
0x91: {  	s18 =	sld [smem:$0x3FD0];
	(tm) =	ssettm $0x1  }
0x92: {  	s4 =	sld [smem:$0x3FFB];
	_ =	sdelay $0x3  }
0x93: {  	_ =	strace s4  }
0x94: {  	s4 =	sld [smem:$0x3FFC];
	_ =	sdelay $0x3  }
0x95: {  	_ =	strace s4  }
0x96: {  	s4 =	sld [smem:$0x3FFD];
	_ =	sdelay $0x3  }
0x97: {  	_ =	strace s4  }
0x98: {  	_ =	strace $0x8FFFFFFF  }
0x99: {  	s19 =	sld [smem:$0x3FDB];
	_ =	sdelay $0x1  }
0x9a: {  	s5 =	simm.s32 $_scs_section_size  }
0x9b: {  	s6 =	simm.s32 $_size__tile_overlayer_lowered;
	s7 =	simm.s32 $_tile_overlayer_lowered  }
0x9c: {  	s22 =	simm.s32 $0x1BFF;
	s21 =	sshll.u32 s7, $0x1;
	s4 =	sadd.s32 s5, s19  }
0x9d: {  	s8 =	simm.s32 $0x0;
	s20 =	sshll.u32 s6, $0x1;
	s6 =	sadd.s32 s21, s4  }
0x9e: {  	[timem:s8], [sflag:s22] =	dma.local [hbm:s6], s20  }
0x9f: {  	_ =	swait.ge [sflag:s22], s20  }
0xa0: {  	s5 =	ssub.s32 $0x0, s20;
	[sflag:s22] =	ssyncset.done $0x0  }
0xa1: {  	[sflag:s22] =	ssyncadd.s32 s5;
	_ =	sdelay $0x1  }
0xa2: {  	s23 =	simm.s32 $0x1B8B  }
0xa3: {  	_ =	swait.ge [sflag:s23], $0x1  }
0xa4: {  	[sflag:s23] =	ssyncset.done $0x0  }
0xa5: {  	s25 =	simm.s32 $0x1B8E;
	s24 =	sld [smem:$0x3FFE];
	[sflag:s23] =	ssyncadd.s32 $0xFFFFFFFF  }
0xa6: {  	s26 =	simm.s32 $execute0_lowered;
	[smem:$0x3FD2] =	sst s25  }
0xa7: {  	s6 =	sshll.u32 s26, $0x1;
	_ =	strace $0x80000046;
	[dreg:$0x1] =	wrdreg $0xFFFFFFFF  }
0xa8: {  	s28 =	simm.s32 $_size_execute0_lowered;
	s4 =	sadd.s32 s4, s6;
	[dreg:$0x0] =	wrdreg $0x0  }
0xa9: {  	s6 =	sshll.u32 s28, $0x1;
	[dreg:$0x2] =	wrdreg s4  }
0xaa: {  	[dreg:$0x3] =	wrdreg s6  }
0xab: {  	[dreg:$0x4] =	wrdreg $0xC0  }
0xac: {  	_ =	task [dreg:s8], $0x5FFFF  }
0xad: {  	[dreg:$0x1] =	wrdreg $0xFFFFFFFF  }
0xae: {  	[dreg:$0x0] =	wrdreg $0x60  }
0xaf: {  	[dreg:$0x2] =	wrdreg s24  }
0xb0: {  	[dreg:$0x3] =	wrdreg s2  }
0xb1: {  	[dreg:$0x4] =	wrdreg s18  }
0xb2: {  	[dreg:$0x5] =	wrdreg $0x9  }
0xb3: {  	_ =	task.clear_ibuf [dreg:s8], $0x6FFFF;
	_ =	strace $0x90000046  }
0xb4: {  	s29 =	simm.s32 $0x9;
	_ =	strace $0x80000048  }
0xb5: {  	_ =	swait.ge [sflag:s29], $0x1  }
0xb6: {  	[sflag:s29] =	ssyncadd.s32 $0xFFFFFFFF  }
0xb7: {  	_ =	strace $0x90000048  }
0xb8: {  	_ =	sfence  }
0xb9: {  	s30 =	sld [smem:$0x0];
	_ =	sdelay $0x2  }
0xba: {  	s31 =	sshll.u32 s1, $0xD;
	s1 =	sshrl.u32 s1, $0x2  }
0xbb: {  	s3 =	sand.u32 $0x4000, s31;
	s1 =	sadd.s32 s1, s30  }
0xbc: {  	s0 =	sor.u32 s3, s0;
	s1 =	sshll.u32 s1, $0x11  }
0xbd: {  	s0 =	sor.u32 s1, s0  }
0xbe: {  	s0 =	sadd.s32 $0x8F2B, s0  }
0xbf: {  	[sflag:s0] =	ssyncadd.remote.s32 $0x1  }
0xc0: {  	_ =	sfence.sel $0xFFFF  }
0xc1: {  	[dreg:$0x0] =	wrdreg $0xFFFFFFFF;
	(pc) =	sbr.abs _section_cstart, $3  }
0xc2: {  	[dreg:$0x1] =	wrdreg $0xFFFFFFFF  }
0xc3: {  	_ =	task.clear_ibuf [dreg:s8], $0x2FFFF;
	_ =	strace $0x9FFFFFFF  }
0xc4: {  	(tm) =	ssettm $0x7FFFFFFF  }
0xc5: {  	_ =	shalt  }
tec
execute0_lowered:
.L_overlay_start_1:
0x0: {  	(tag) =	ssettag $0x1  }
0x1: {  	s0 =	rddreg [dreg:$0x0]  }
0x2: {  	s1 =	rddreg [dreg:$0x1]  }
0x3: {  	s9 =	rddreg [dreg:$0x2];
	s2 =	simm.s32 $0x0;
	s3 =	srdreg.scid  }
0x4: {  	s5 =	stileid.u32;
	s13 =	simm.s32 $0x400;
	s14 =	simm.s32 $0x20000  }
0x5: {  	s15 =	simm.s32 $0xF000;
	s16 =	simm.s32 $0x3;
	s17 =	simm.s32 $0x7800  }
0x6: {  	s18 =	simm.s32 $0x15400;
	s19 =	simm.s32 $0x1;
	s20 =	simm.s32 $0x2  }
0x7: {  	s21 =	simm.s32 $0x80;
	s22 =	simm.s32 $0x200;
	s23 =	simm.s32 $0x1B800  }
0x8: {  	s24 =	simm.s32 $0x4;
	s25 =	simm.s32 $0x1BA00;
	s26 =	simm.s32 $0x1BC00  }
0x9: {  	s28 =	simm.s32 $0x0;
	[smem:$0x7FF] =	sst s2;
	s4 =	sand.u32 $0x1, s3  }
0xa: {  	s5 =	sshll.u32 s5, $0xA;
	s3 =	sadd.s32 $0xE00, s0;
	s6 =	sshll.u32 s4, $0x9  }
0xb: {  	_ =	strace $0x80000047;
	s7 =	ssub.s32 $0x2, s4;
	s8 =	sor.u32 s6, s5  }
0xc: {  	s4 =	sadd.s32 $0x1E00, s0;
	s30 =	sshrl.u32 s7, $0x1;
	s5 =	sadd.s32 s1, s8  }
0xd: {  	s0 =	ssub.s32 s7, s30;
	s31 =	sshrl.u32 s8, $0x1;
	s6 =	sadd.s32 $0x80, s5  }
0xe: {  	s7 =	sadd.s32 $0x100, s5;
	s8 =	sadd.s32 $0x180, s5;
	s9 =	sadd.s32 s9, s31  }
0xf: {  	s12 =	smax.u32 s0, $0x1;
	s10 =	sadd.s32 $0x10, s9;
	s11 =	sadd.s32 $0x20, s9  }
.LBB2_1:
0x10: {  	[tilespmem:s15], [sflag:$0x1] =	stream.strided.gather [hbm4b:s5+s13], $0x6400, s14, s13, $0x38;
	[tilespmem:$0x1BE00] =	vst v63  }
0x11: {  	_ = 	snop  }
0x12: {  	[tilespmem:s2], [sflag:$0x3] =	stream.linear.gather [hbm4b:s3+s2], $0x7800, $0x38;
	[tilespmem:$0x1BE00] =	vst v63  }
0x13: {  	_ =	swait.ge [sflag:s16], $0x7800  }
0x14: {  	[sflag:s16] =	ssyncset.done $0x0  }
0x15: {  	[sflag:s16] =	ssyncadd.s32 $0xFFFF8800  }
0x16: {  	[tilespmem:s17], [sflag:$0x3] =	stream.linear.gather [hbm4b:s4+s2], $0x7800, $0x38;
	[tilespmem:$0x1BE00] =	vst v63  }
0x17: {  	_ =	swait.ge [sflag:s16], $0x7800  }
0x18: {  	[sflag:s16] =	ssyncset.done $0x0  }
0x19: {  	[sflag:s16] =	ssyncadd.s32 $0xFFFF8800  }
0x1a: {  	[tilespmem:s18], [sflag:$0x2] =	stream.strided.gather [hbm4b:s6+s13], $0x6400, s14, s13, $0x38;
	[tilespmem:$0x1BE00] =	vst v63  }
0x1b: {  	_ =	swait.ge [sflag:s19], $0x6400  }
0x1c: {  	[sflag:s19] =	ssyncset.done $0x0  }
0x1d: {  	s29 =	simm.s32 $0xF200;
	s30 =	simm.s32 $0x0;
	[sflag:s19] =	ssyncadd.s32 $0xFFFF9C00  }
.LBB2_2:
0x1e: {  	v2 =	vld [tilespmem:s29+$0xFFFFFE00]  }
0x1f: {  	v9 =	vld [tilespmem:s29+$0x100]  }
0x20: {  	v3 =	vld [tilespmem:s29+$0xFFFFFF00]  }
0x21: {  	v10 =	vld [tilespmem:s29+$0x180]  }
0x22: {  	v6 =	vld [tilespmem:s29+$0x0]  }
0x23: {  	v7 =	vld [tilespmem:s29+$0x80]  }
0x24: {  	v8 =	vld [tilespmem:s29+$0xFFFFFE80]  }
0x25: {  	v5 =	vld [tilespmem:s29+$0xFFFFFF80]  }
0x26: {  	v4 =	vld.idx.msk [tilespmem:v2+s2+$0x0], $0xffff  }
0x27: {  	v11 =	vld.idx.msk [tilespmem:v9+s2+$0x0], $0xffff  }
0x28: {  	v12 =	vld.idx.msk [tilespmem:v3+s2+$0x0], $0xffff  }
0x29: {  	v0 =	vld.idx.msk [tilespmem:v10+s2+$0x0], $0xffff  }
0x2a: {  	v13 =	vld.idx.msk [tilespmem:v6+s2+$0x0], $0xffff  }
0x2b: {  	v1 =	vld.idx.msk [tilespmem:v7+s2+$0x0], $0xffff  }
0x2c: {  	v15 =	vimm.f32 $0.0e+00;
	v17 =	vld.idx.msk [tilespmem:v8+s2+$0x0], $0xffff;
	v14 =	vshll.u32 v4, $0x10;
	v16 =	vand.u32 $0xFFFF0000, v4  }
0x2d: {  	v18 =	vld.idx.msk [tilespmem:v2+s17+$0x0], $0xffff;
	v14 =	vadd.f32 v14, v15;
	v16 =	vadd.f32 v16, v15  }
0x2e: {  	v19 =	vld.idx.msk [tilespmem:v8+s17+$0x0], $0xffff;
	v2 =	vshll.u32 v12, $0x10;
	v12 =	vand.u32 $0xFFFF0000, v12  }
0x2f: {  	v8 =	vld.idx.msk [tilespmem:v3+s17+$0x0], $0xffff;
	v2 =	vadd.f32 v2, v14;
	v12 =	vadd.f32 v12, v16  }
0x30: {  	v4 =	vld.idx.msk [tilespmem:v5+s2+$0x0], $0xffff;
	v3 =	vshll.u32 v13, $0x10;
	v13 =	vand.u32 $0xFFFF0000, v13  }
0x31: {  	v6 =	vld.idx.msk [tilespmem:v6+s17+$0x0], $0xffff;
	v2 =	vadd.f32 v3, v2;
	v3 =	vadd.f32 v13, v12  }
0x32: {  	v5 =	vld.idx.msk [tilespmem:v5+s17+$0x0], $0xffff;
	v12 =	vshll.u32 v11, $0x10;
	v11 =	vand.u32 $0xFFFF0000, v11  }
0x33: {  	v7 =	vld.idx.msk [tilespmem:v7+s17+$0x0], $0xffff;
	v13 =	vshll.u32 v17, $0x10;
	v2 =	vadd.f32 v12, v2;
	v3 =	vadd.f32 v11, v3  }
0x34: {  	v9 =	vld.idx.msk [tilespmem:v9+s17+$0x0], $0xffff;
	v14 =	vand.u32 $0xFFFF0000, v17;
	v11 =	vadd.f32 v18, v15;
	v12 =	vadd.f32 v13, v15  }
0x35: {  	s31 =	sshll.u32 s30, $0x4;
	s0 =	simm.s32 $0x0;
	s1 =	sadd.s32 $0x400, s29;
	v10 =	vld.idx.msk [tilespmem:v10+s17+$0x0], $0xffff;
	v14 =	vadd.f32 v14, v15;
	v13 =	vadd.f32 v19, v15;
	v15 =	vshll.u32 v4, $0x10  }
.LBB2_3:
0x36: {  	v16 =	vld [tilespmem:s1+$0xFFFFFE00];
	v8 =	vadd.f32 v8, v11;
	v4 =	vand.u32 $0xFFFF0000, v4;
	v11 =	vadd.f32 v15, v12  }
0x37: {  	v12 =	vshll.u32 v1, $0x10;
	v15 =	vld [tilespmem:s1+$0x100];
	v4 =	vadd.f32 v4, v14;
	v5 =	vadd.f32 v5, v13  }
0x38: {  	v1 =	vand.u32 $0xFFFF0000, v1;
	v13 =	vld [tilespmem:s1+$0xFFFFFF00];
	v6 =	vadd.f32 v6, v8;
	v8 =	vadd.f32 v12, v11  }
0x39: {  	v17 =	vld [tilespmem:s1+$0x180];
	v1 =	vadd.f32 v1, v4;
	v4 =	vadd.f32 v7, v5;
	v5 =	vshll.u32 v0, $0x10  }
0x3a: {  	v0 =	vand.u32 $0xFFFF0000, v0;
	v7 =	vld [tilespmem:s1+$0x0];
	v9 =	vadd.f32 v9, v6;
	v12 =	vadd.f32 v5, v8  }
0x3b: {  	v11 =	vld [tilespmem:s1+$0x80];
	v14 =	vadd.f32 v0, v1;
	v10 =	vadd.f32 v10, v4  }
0x3c: {  	v5 =	vld [tilespmem:s1+$0xFFFFFF80]  }
0x3d: {  	v6 =	vld [tilespmem:s1+$0xFFFFFE80]  }
0x3e: {  	s0 =	sadd.s32 $0x8, s0;
	v4 =	vld.idx.msk [tilespmem:v16+s2+$0x0], $0xffff  }
0x3f: {  	p0 =	slt.u32 s0, $0xC0;
	v18 =	vld.idx.msk [tilespmem:v15+s2+$0x0], $0xffff  }
0x40: {  	v8 =	vld.idx.msk [tilespmem:v13+s2+$0x0], $0xffff  }
0x41: {  	v0 =	vld.idx.msk [tilespmem:v17+s2+$0x0], $0xffff  }
0x42: {  	v19 =	vld.idx.msk [tilespmem:v7+s2+$0x0], $0xffff  }
0x43: {  	v1 =	vld.idx.msk [tilespmem:v11+s2+$0x0], $0xffff  }
0x44: {  	v20 =	vshll.u32 v4, $0x10;
	v21 =	vand.u32 $0xFFFF0000, v4;
	v4 =	vld.idx.msk [tilespmem:v5+s2+$0x0], $0xffff  }
0x45: {  	v2 =	vadd.f32 v20, v2;
	v3 =	vadd.f32 v21, v3;
	v20 =	vld.idx.msk [tilespmem:v6+s2+$0x0], $0xffff  }
0x46: {  	v21 =	vshll.u32 v8, $0x10;
	v8 =	vand.u32 $0xFFFF0000, v8;
	v16 =	vld.idx.msk [tilespmem:v16+s17+$0x0], $0xffff  }
0x47: {  	v2 =	vadd.f32 v21, v2;
	v3 =	vadd.f32 v8, v3;
	v22 =	vld.idx.msk [tilespmem:v6+s17+$0x0], $0xffff  }
0x48: {  	v6 =	vshll.u32 v19, $0x10;
	v8 =	vld.idx.msk [tilespmem:v13+s17+$0x0], $0xffff;
	v13 =	vand.u32 $0xFFFF0000, v19  }
.Ltmp0:
0x49: {  	v2 =	vadd.f32 v6, v2;
	v5 =	vld.idx.msk [tilespmem:v5+s17+$0x0], $0xffff;
	v3 =	vadd.f32 v13, v3;
	(pc) =	sbr.rel @p0 .LBB2_3-.Ltmp0, $4  }
0x4a: {  	v13 =	vshll.u32 v18, $0x10;
	v18 =	vand.u32 $0xFFFF0000, v18;
	v6 =	vld.idx.msk [tilespmem:v7+s17+$0x0], $0xffff  }
0x4b: {  	v19 =	vshll.u32 v20, $0x10;
	v2 =	vadd.f32 v13, v2;
	v7 =	vld.idx.msk [tilespmem:v11+s17+$0x0], $0xffff;
	v3 =	vadd.f32 v18, v3  }
0x4c: {  	v13 =	vand.u32 $0xFFFF0000, v20;
	v11 =	vadd.f32 v16, v9;
	v12 =	vadd.f32 v19, v12;
	v9 =	vld.idx.msk [tilespmem:v15+s17+$0x0], $0xffff  }
0x4d: {  	s1 =	sadd.s32 $0x400, s1;
	v14 =	vadd.f32 v13, v14;
	v13 =	vadd.f32 v22, v10;
	v15 =	vshll.u32 v4, $0x10;
	v10 =	vld.idx.msk [tilespmem:v17+s17+$0x0], $0xffff  }
0x4e: {  	v4 =	vand.u32 $0xFFFF0000, v4;
	v12 =	vadd.f32 v15, v12  }
0x4f: {  	v8 =	vadd.f32 v8, v11;
	v59 =	vshll.u32 v1, $0x10;
	v4 =	vadd.f32 v4, v14  }
0x50: {  	v60 =	vand.u32 $0xFFFF0000, v1;
	v5 =	vadd.f32 v5, v13;
	v11 =	vadd.f32 v59, v12  }
0x51: {  	v61 =	vshll.u32 v0, $0x10;
	v6 =	vadd.f32 v6, v8;
	v1 =	vadd.f32 v60, v4  }
0x52: {  	v62 =	vand.u32 $0xFFFF0000, v0;
	s30 =	sadd.s32 $0x1, s30;
	v5 =	vadd.f32 v7, v5;
	v4 =	vadd.f32 v61, v11  }
0x53: {  	p0 =	sne.s32 s30, $0x8;
	v6 =	vadd.f32 v9, v6;
	v0 =	vadd.f32 v62, v1  }
.Ltmp1:
0x54: {  	v63 =	vadd.f32 v10, v5;
	v2 =	vadd.f32 v4, v2;
	(pc) =	sbr.rel @p0 .LBB2_2-.Ltmp1, $4  }
0x55: {  	v0 =	vadd.f32 v0, v3  }
0x56: {  	v1 =	vadd.f32 v63, v6;
	[tilespmem:s31+$0x1B800] =	vst v2  }
0x57: {  	[tilespmem:s31+$0x1BA00] =	vst v0  }
0x58: {  	s29 =	sadd.s32 $0x10, s29;
	[tilespmem:s31+$0x1BC00] =	vst v1  }
0x59: {  	[tilespmem:s15], [sflag:$0x1] =	stream.strided.gather [hbm4b:s7+s13], $0x6400, s14, s13, $0x38;
	[tilespmem:$0x1BE00] =	vst v63  }
0x5a: {  	_ =	swait.ge [sflag:s20], $0x6400  }
0x5b: {  	[sflag:s20] =	ssyncset.done $0x0  }
0x5c: {  	s29 =	simm.s32 $0x0;
	s30 =	simm.s32 $0x15600;
	[sflag:s20] =	ssyncadd.s32 $0xFFFF9C00  }
.LBB2_6:
0x5d: {  	v2 =	vld [tilespmem:s30+$0xFFFFFE00]  }
0x5e: {  	v9 =	vld [tilespmem:s30+$0x100]  }
0x5f: {  	v3 =	vld [tilespmem:s30+$0xFFFFFF00]  }
0x60: {  	v10 =	vld [tilespmem:s30+$0x180]  }
0x61: {  	v6 =	vld [tilespmem:s30+$0x0]  }
0x62: {  	v7 =	vld [tilespmem:s30+$0x80]  }
0x63: {  	v8 =	vld [tilespmem:s30+$0xFFFFFE80]  }
0x64: {  	v5 =	vld [tilespmem:s30+$0xFFFFFF80]  }
0x65: {  	v4 =	vld.idx.msk [tilespmem:v2+s2+$0x0], $0xffff  }
0x66: {  	v11 =	vld.idx.msk [tilespmem:v9+s2+$0x0], $0xffff  }
0x67: {  	v12 =	vld.idx.msk [tilespmem:v3+s2+$0x0], $0xffff  }
0x68: {  	v0 =	vld.idx.msk [tilespmem:v10+s2+$0x0], $0xffff  }
0x69: {  	v13 =	vld.idx.msk [tilespmem:v6+s2+$0x0], $0xffff  }
0x6a: {  	v1 =	vld.idx.msk [tilespmem:v7+s2+$0x0], $0xffff  }
0x6b: {  	v15 =	vimm.f32 $0.0e+00;
	v17 =	vld.idx.msk [tilespmem:v8+s2+$0x0], $0xffff;
	v14 =	vshll.u32 v4, $0x10;
	v16 =	vand.u32 $0xFFFF0000, v4  }
0x6c: {  	v18 =	vld.idx.msk [tilespmem:v2+s17+$0x0], $0xffff;
	v14 =	vadd.f32 v14, v15;
	v16 =	vadd.f32 v16, v15  }
0x6d: {  	v19 =	vld.idx.msk [tilespmem:v8+s17+$0x0], $0xffff;
	v2 =	vshll.u32 v12, $0x10;
	v12 =	vand.u32 $0xFFFF0000, v12  }
0x6e: {  	v8 =	vld.idx.msk [tilespmem:v3+s17+$0x0], $0xffff;
	v2 =	vadd.f32 v2, v14;
	v12 =	vadd.f32 v12, v16  }
0x6f: {  	v4 =	vld.idx.msk [tilespmem:v5+s2+$0x0], $0xffff;
	v3 =	vshll.u32 v13, $0x10;
	v13 =	vand.u32 $0xFFFF0000, v13  }
0x70: {  	v6 =	vld.idx.msk [tilespmem:v6+s17+$0x0], $0xffff;
	v2 =	vadd.f32 v3, v2;
	v3 =	vadd.f32 v13, v12  }
0x71: {  	v5 =	vld.idx.msk [tilespmem:v5+s17+$0x0], $0xffff;
	v12 =	vshll.u32 v11, $0x10;
	v11 =	vand.u32 $0xFFFF0000, v11  }
0x72: {  	v7 =	vld.idx.msk [tilespmem:v7+s17+$0x0], $0xffff;
	v13 =	vshll.u32 v17, $0x10;
	v2 =	vadd.f32 v12, v2;
	v3 =	vadd.f32 v11, v3  }
0x73: {  	v9 =	vld.idx.msk [tilespmem:v9+s17+$0x0], $0xffff;
	v14 =	vand.u32 $0xFFFF0000, v17;
	v11 =	vadd.f32 v18, v15;
	v12 =	vadd.f32 v13, v15  }
0x74: {  	s31 =	sshll.u32 s29, $0x4;
	s0 =	simm.s32 $0x0;
	s1 =	sadd.s32 $0x400, s30;
	v10 =	vld.idx.msk [tilespmem:v10+s17+$0x0], $0xffff;
	v14 =	vadd.f32 v14, v15;
	v13 =	vadd.f32 v19, v15;
	v15 =	vshll.u32 v4, $0x10  }
.LBB2_7:
0x75: {  	v16 =	vld [tilespmem:s1+$0xFFFFFE00];
	v8 =	vadd.f32 v8, v11;
	v4 =	vand.u32 $0xFFFF0000, v4;
	v11 =	vadd.f32 v15, v12  }
0x76: {  	v12 =	vshll.u32 v1, $0x10;
	v15 =	vld [tilespmem:s1+$0x100];
	v4 =	vadd.f32 v4, v14;
	v5 =	vadd.f32 v5, v13  }
0x77: {  	v1 =	vand.u32 $0xFFFF0000, v1;
	v13 =	vld [tilespmem:s1+$0xFFFFFF00];
	v6 =	vadd.f32 v6, v8;
	v8 =	vadd.f32 v12, v11  }
0x78: {  	v17 =	vld [tilespmem:s1+$0x180];
	v1 =	vadd.f32 v1, v4;
	v4 =	vadd.f32 v7, v5;
	v5 =	vshll.u32 v0, $0x10  }
0x79: {  	v0 =	vand.u32 $0xFFFF0000, v0;
	v7 =	vld [tilespmem:s1+$0x0];
	v9 =	vadd.f32 v9, v6;
	v12 =	vadd.f32 v5, v8  }
0x7a: {  	v11 =	vld [tilespmem:s1+$0x80];
	v14 =	vadd.f32 v0, v1;
	v10 =	vadd.f32 v10, v4  }
0x7b: {  	v5 =	vld [tilespmem:s1+$0xFFFFFF80]  }
0x7c: {  	v6 =	vld [tilespmem:s1+$0xFFFFFE80]  }
0x7d: {  	s0 =	sadd.s32 $0x8, s0;
	v4 =	vld.idx.msk [tilespmem:v16+s2+$0x0], $0xffff  }
0x7e: {  	p0 =	slt.u32 s0, $0xC0;
	v18 =	vld.idx.msk [tilespmem:v15+s2+$0x0], $0xffff  }
0x7f: {  	v8 =	vld.idx.msk [tilespmem:v13+s2+$0x0], $0xffff  }
0x80: {  	v0 =	vld.idx.msk [tilespmem:v17+s2+$0x0], $0xffff  }
0x81: {  	v19 =	vld.idx.msk [tilespmem:v7+s2+$0x0], $0xffff  }
0x82: {  	v1 =	vld.idx.msk [tilespmem:v11+s2+$0x0], $0xffff  }
0x83: {  	v20 =	vshll.u32 v4, $0x10;
	v21 =	vand.u32 $0xFFFF0000, v4;
	v4 =	vld.idx.msk [tilespmem:v5+s2+$0x0], $0xffff  }
0x84: {  	v2 =	vadd.f32 v20, v2;
	v3 =	vadd.f32 v21, v3;
	v20 =	vld.idx.msk [tilespmem:v6+s2+$0x0], $0xffff  }
0x85: {  	v21 =	vshll.u32 v8, $0x10;
	v8 =	vand.u32 $0xFFFF0000, v8;
	v16 =	vld.idx.msk [tilespmem:v16+s17+$0x0], $0xffff  }
0x86: {  	v2 =	vadd.f32 v21, v2;
	v3 =	vadd.f32 v8, v3;
	v22 =	vld.idx.msk [tilespmem:v6+s17+$0x0], $0xffff  }
0x87: {  	v6 =	vshll.u32 v19, $0x10;
	v8 =	vld.idx.msk [tilespmem:v13+s17+$0x0], $0xffff;
	v13 =	vand.u32 $0xFFFF0000, v19  }
.Ltmp2:
0x88: {  	v2 =	vadd.f32 v6, v2;
	v5 =	vld.idx.msk [tilespmem:v5+s17+$0x0], $0xffff;
	v3 =	vadd.f32 v13, v3;
	(pc) =	sbr.rel @p0 .LBB2_7-.Ltmp2, $4  }
0x89: {  	v13 =	vshll.u32 v18, $0x10;
	v18 =	vand.u32 $0xFFFF0000, v18;
	v6 =	vld.idx.msk [tilespmem:v7+s17+$0x0], $0xffff  }
0x8a: {  	v19 =	vshll.u32 v20, $0x10;
	v2 =	vadd.f32 v13, v2;
	v7 =	vld.idx.msk [tilespmem:v11+s17+$0x0], $0xffff;
	v3 =	vadd.f32 v18, v3  }
0x8b: {  	v13 =	vand.u32 $0xFFFF0000, v20;
	v11 =	vadd.f32 v16, v9;
	v12 =	vadd.f32 v19, v12;
	v9 =	vld.idx.msk [tilespmem:v15+s17+$0x0], $0xffff  }
0x8c: {  	s1 =	sadd.s32 $0x400, s1;
	v14 =	vadd.f32 v13, v14;
	v13 =	vadd.f32 v22, v10;
	v15 =	vshll.u32 v4, $0x10;
	v10 =	vld.idx.msk [tilespmem:v17+s17+$0x0], $0xffff  }
0x8d: {  	v4 =	vand.u32 $0xFFFF0000, v4;
	v12 =	vadd.f32 v15, v12  }
0x8e: {  	v8 =	vadd.f32 v8, v11;
	v59 =	vshll.u32 v1, $0x10;
	v4 =	vadd.f32 v4, v14  }
0x8f: {  	v60 =	vand.u32 $0xFFFF0000, v1;
	v5 =	vadd.f32 v5, v13;
	v11 =	vadd.f32 v59, v12  }
0x90: {  	v61 =	vshll.u32 v0, $0x10;
	v6 =	vadd.f32 v6, v8;
	v1 =	vadd.f32 v60, v4  }
0x91: {  	v62 =	vand.u32 $0xFFFF0000, v0;
	s29 =	sadd.s32 $0x1, s29;
	v5 =	vadd.f32 v7, v5;
	v4 =	vadd.f32 v61, v11  }
0x92: {  	p0 =	sne.s32 s29, $0x8;
	v6 =	vadd.f32 v9, v6;
	v0 =	vadd.f32 v62, v1  }
.Ltmp3:
0x93: {  	v63 =	vadd.f32 v10, v5;
	v2 =	vadd.f32 v4, v2;
	(pc) =	sbr.rel @p0 .LBB2_6-.Ltmp3, $4  }
0x94: {  	v0 =	vadd.f32 v0, v3  }
0x95: {  	v1 =	vadd.f32 v63, v6;
	[tilespmem:s31+$0x1B880] =	vst v2  }
0x96: {  	[tilespmem:s31+$0x1BA80] =	vst v0  }
0x97: {  	s30 =	sadd.s32 $0x10, s30;
	[tilespmem:s31+$0x1BC80] =	vst v1  }
0x98: {  	[tilespmem:s18], [sflag:$0x2] =	stream.strided.gather [hbm4b:s8+s13], $0x6400, s14, s13, $0x38;
	[tilespmem:$0x1BE00] =	vst v63  }
0x99: {  	_ =	swait.ge [sflag:s19], $0x6400  }
0x9a: {  	[sflag:s19] =	ssyncset.done $0x0  }
0x9b: {  	s29 =	simm.s32 $0x0;
	s30 =	simm.s32 $0xF200;
	[sflag:s19] =	ssyncadd.s32 $0xFFFF9C00  }
.LBB2_10:
0x9c: {  	v2 =	vld [tilespmem:s30+$0xFFFFFE00]  }
0x9d: {  	v9 =	vld [tilespmem:s30+$0x100]  }
0x9e: {  	v3 =	vld [tilespmem:s30+$0xFFFFFF00]  }
0x9f: {  	v10 =	vld [tilespmem:s30+$0x180]  }
0xa0: {  	v6 =	vld [tilespmem:s30+$0x0]  }
0xa1: {  	v7 =	vld [tilespmem:s30+$0x80]  }
0xa2: {  	v8 =	vld [tilespmem:s30+$0xFFFFFE80]  }
0xa3: {  	v5 =	vld [tilespmem:s30+$0xFFFFFF80]  }
0xa4: {  	v4 =	vld.idx.msk [tilespmem:v2+s2+$0x0], $0xffff  }
0xa5: {  	v11 =	vld.idx.msk [tilespmem:v9+s2+$0x0], $0xffff  }
0xa6: {  	v12 =	vld.idx.msk [tilespmem:v3+s2+$0x0], $0xffff  }
0xa7: {  	v0 =	vld.idx.msk [tilespmem:v10+s2+$0x0], $0xffff  }
0xa8: {  	v13 =	vld.idx.msk [tilespmem:v6+s2+$0x0], $0xffff  }
0xa9: {  	v1 =	vld.idx.msk [tilespmem:v7+s2+$0x0], $0xffff  }
0xaa: {  	v15 =	vimm.f32 $0.0e+00;
	v17 =	vld.idx.msk [tilespmem:v8+s2+$0x0], $0xffff;
	v14 =	vshll.u32 v4, $0x10;
	v16 =	vand.u32 $0xFFFF0000, v4  }
0xab: {  	v18 =	vld.idx.msk [tilespmem:v2+s17+$0x0], $0xffff;
	v14 =	vadd.f32 v14, v15;
	v16 =	vadd.f32 v16, v15  }
0xac: {  	v19 =	vld.idx.msk [tilespmem:v8+s17+$0x0], $0xffff;
	v2 =	vshll.u32 v12, $0x10;
	v12 =	vand.u32 $0xFFFF0000, v12  }
0xad: {  	v8 =	vld.idx.msk [tilespmem:v3+s17+$0x0], $0xffff;
	v2 =	vadd.f32 v2, v14;
	v12 =	vadd.f32 v12, v16  }
0xae: {  	v4 =	vld.idx.msk [tilespmem:v5+s2+$0x0], $0xffff;
	v3 =	vshll.u32 v13, $0x10;
	v13 =	vand.u32 $0xFFFF0000, v13  }
0xaf: {  	v6 =	vld.idx.msk [tilespmem:v6+s17+$0x0], $0xffff;
	v2 =	vadd.f32 v3, v2;
	v3 =	vadd.f32 v13, v12  }
0xb0: {  	v5 =	vld.idx.msk [tilespmem:v5+s17+$0x0], $0xffff;
	v12 =	vshll.u32 v11, $0x10;
	v11 =	vand.u32 $0xFFFF0000, v11  }
0xb1: {  	v7 =	vld.idx.msk [tilespmem:v7+s17+$0x0], $0xffff;
	v13 =	vshll.u32 v17, $0x10;
	v2 =	vadd.f32 v12, v2;
	v3 =	vadd.f32 v11, v3  }
0xb2: {  	v9 =	vld.idx.msk [tilespmem:v9+s17+$0x0], $0xffff;
	v14 =	vand.u32 $0xFFFF0000, v17;
	v11 =	vadd.f32 v18, v15;
	v12 =	vadd.f32 v13, v15  }
0xb3: {  	s31 =	sshll.u32 s29, $0x4;
	s0 =	simm.s32 $0x0;
	s1 =	sadd.s32 $0x400, s30;
	v10 =	vld.idx.msk [tilespmem:v10+s17+$0x0], $0xffff;
	v14 =	vadd.f32 v14, v15;
	v13 =	vadd.f32 v19, v15;
	v15 =	vshll.u32 v4, $0x10  }
.LBB2_11:
0xb4: {  	v16 =	vld [tilespmem:s1+$0xFFFFFE00];
	v8 =	vadd.f32 v8, v11;
	v4 =	vand.u32 $0xFFFF0000, v4;
	v11 =	vadd.f32 v15, v12  }
0xb5: {  	v12 =	vshll.u32 v1, $0x10;
	v15 =	vld [tilespmem:s1+$0x100];
	v4 =	vadd.f32 v4, v14;
	v5 =	vadd.f32 v5, v13  }
0xb6: {  	v1 =	vand.u32 $0xFFFF0000, v1;
	v13 =	vld [tilespmem:s1+$0xFFFFFF00];
	v6 =	vadd.f32 v6, v8;
	v8 =	vadd.f32 v12, v11  }
0xb7: {  	v17 =	vld [tilespmem:s1+$0x180];
	v1 =	vadd.f32 v1, v4;
	v4 =	vadd.f32 v7, v5;
	v5 =	vshll.u32 v0, $0x10  }
0xb8: {  	v0 =	vand.u32 $0xFFFF0000, v0;
	v7 =	vld [tilespmem:s1+$0x0];
	v9 =	vadd.f32 v9, v6;
	v12 =	vadd.f32 v5, v8  }
0xb9: {  	v11 =	vld [tilespmem:s1+$0x80];
	v14 =	vadd.f32 v0, v1;
	v10 =	vadd.f32 v10, v4  }
0xba: {  	v5 =	vld [tilespmem:s1+$0xFFFFFF80]  }
0xbb: {  	v6 =	vld [tilespmem:s1+$0xFFFFFE80]  }
0xbc: {  	s0 =	sadd.s32 $0x8, s0;
	v4 =	vld.idx.msk [tilespmem:v16+s2+$0x0], $0xffff  }
0xbd: {  	p0 =	slt.u32 s0, $0xC0;
	v18 =	vld.idx.msk [tilespmem:v15+s2+$0x0], $0xffff  }
0xbe: {  	v8 =	vld.idx.msk [tilespmem:v13+s2+$0x0], $0xffff  }
0xbf: {  	v0 =	vld.idx.msk [tilespmem:v17+s2+$0x0], $0xffff  }
0xc0: {  	v19 =	vld.idx.msk [tilespmem:v7+s2+$0x0], $0xffff  }
0xc1: {  	v1 =	vld.idx.msk [tilespmem:v11+s2+$0x0], $0xffff  }
0xc2: {  	v20 =	vshll.u32 v4, $0x10;
	v21 =	vand.u32 $0xFFFF0000, v4;
	v4 =	vld.idx.msk [tilespmem:v5+s2+$0x0], $0xffff  }
0xc3: {  	v2 =	vadd.f32 v20, v2;
	v3 =	vadd.f32 v21, v3;
	v20 =	vld.idx.msk [tilespmem:v6+s2+$0x0], $0xffff  }
0xc4: {  	v21 =	vshll.u32 v8, $0x10;
	v8 =	vand.u32 $0xFFFF0000, v8;
	v16 =	vld.idx.msk [tilespmem:v16+s17+$0x0], $0xffff  }
0xc5: {  	v2 =	vadd.f32 v21, v2;
	v3 =	vadd.f32 v8, v3;
	v22 =	vld.idx.msk [tilespmem:v6+s17+$0x0], $0xffff  }
0xc6: {  	v6 =	vshll.u32 v19, $0x10;
	v8 =	vld.idx.msk [tilespmem:v13+s17+$0x0], $0xffff;
	v13 =	vand.u32 $0xFFFF0000, v19  }
.Ltmp4:
0xc7: {  	v2 =	vadd.f32 v6, v2;
	v5 =	vld.idx.msk [tilespmem:v5+s17+$0x0], $0xffff;
	v3 =	vadd.f32 v13, v3;
	(pc) =	sbr.rel @p0 .LBB2_11-.Ltmp4, $4  }
0xc8: {  	v13 =	vshll.u32 v18, $0x10;
	v18 =	vand.u32 $0xFFFF0000, v18;
	v6 =	vld.idx.msk [tilespmem:v7+s17+$0x0], $0xffff  }
0xc9: {  	v19 =	vshll.u32 v20, $0x10;
	v2 =	vadd.f32 v13, v2;
	v7 =	vld.idx.msk [tilespmem:v11+s17+$0x0], $0xffff;
	v3 =	vadd.f32 v18, v3  }
0xca: {  	v13 =	vand.u32 $0xFFFF0000, v20;
	v11 =	vadd.f32 v16, v9;
	v12 =	vadd.f32 v19, v12;
	v9 =	vld.idx.msk [tilespmem:v15+s17+$0x0], $0xffff  }
0xcb: {  	s1 =	sadd.s32 $0x400, s1;
	v14 =	vadd.f32 v13, v14;
	v13 =	vadd.f32 v22, v10;
	v15 =	vshll.u32 v4, $0x10;
	v10 =	vld.idx.msk [tilespmem:v17+s17+$0x0], $0xffff  }
0xcc: {  	v4 =	vand.u32 $0xFFFF0000, v4;
	v12 =	vadd.f32 v15, v12  }
0xcd: {  	v8 =	vadd.f32 v8, v11;
	v59 =	vshll.u32 v1, $0x10;
	v4 =	vadd.f32 v4, v14  }
0xce: {  	v60 =	vand.u32 $0xFFFF0000, v1;
	v5 =	vadd.f32 v5, v13;
	v11 =	vadd.f32 v59, v12  }
0xcf: {  	v61 =	vshll.u32 v0, $0x10;
	v6 =	vadd.f32 v6, v8;
	v1 =	vadd.f32 v60, v4  }
0xd0: {  	v62 =	vand.u32 $0xFFFF0000, v0;
	s29 =	sadd.s32 $0x1, s29;
	v5 =	vadd.f32 v7, v5;
	v4 =	vadd.f32 v61, v11  }
0xd1: {  	p0 =	sne.s32 s29, $0x8;
	v6 =	vadd.f32 v9, v6;
	v0 =	vadd.f32 v62, v1  }
.Ltmp5:
0xd2: {  	v63 =	vadd.f32 v10, v5;
	v2 =	vadd.f32 v4, v2;
	(pc) =	sbr.rel @p0 .LBB2_10-.Ltmp5, $4  }
0xd3: {  	v0 =	vadd.f32 v0, v3  }
0xd4: {  	v1 =	vadd.f32 v63, v6;
	[tilespmem:s31+$0x1B900] =	vst v2  }
0xd5: {  	[tilespmem:s31+$0x1BB00] =	vst v0  }
0xd6: {  	s30 =	sadd.s32 $0x10, s30;
	[tilespmem:s31+$0x1BD00] =	vst v1  }
0xd7: {  	_ =	swait.ge [sflag:s20], $0x6400  }
0xd8: {  	[sflag:s20] =	ssyncset.done $0x0  }
0xd9: {  	s29 =	simm.s32 $0x0;
	s30 =	simm.s32 $0x15600;
	[sflag:s20] =	ssyncadd.s32 $0xFFFF9C00  }
.LBB2_14:
0xda: {  	v2 =	vld [tilespmem:s30+$0xFFFFFE00]  }
0xdb: {  	v9 =	vld [tilespmem:s30+$0x100]  }
0xdc: {  	v3 =	vld [tilespmem:s30+$0xFFFFFF00]  }
0xdd: {  	v10 =	vld [tilespmem:s30+$0x180]  }
0xde: {  	v6 =	vld [tilespmem:s30+$0x0]  }
0xdf: {  	v7 =	vld [tilespmem:s30+$0x80]  }
0xe0: {  	v8 =	vld [tilespmem:s30+$0xFFFFFE80]  }
0xe1: {  	v5 =	vld [tilespmem:s30+$0xFFFFFF80]  }
0xe2: {  	v4 =	vld.idx.msk [tilespmem:v2+s2+$0x0], $0xffff  }
0xe3: {  	v11 =	vld.idx.msk [tilespmem:v9+s2+$0x0], $0xffff  }
0xe4: {  	v12 =	vld.idx.msk [tilespmem:v3+s2+$0x0], $0xffff  }
0xe5: {  	v0 =	vld.idx.msk [tilespmem:v10+s2+$0x0], $0xffff  }
0xe6: {  	v13 =	vld.idx.msk [tilespmem:v6+s2+$0x0], $0xffff  }
0xe7: {  	v1 =	vld.idx.msk [tilespmem:v7+s2+$0x0], $0xffff  }
0xe8: {  	v15 =	vimm.f32 $0.0e+00;
	v17 =	vld.idx.msk [tilespmem:v8+s2+$0x0], $0xffff;
	v14 =	vshll.u32 v4, $0x10;
	v16 =	vand.u32 $0xFFFF0000, v4  }
0xe9: {  	v18 =	vld.idx.msk [tilespmem:v2+s17+$0x0], $0xffff;
	v14 =	vadd.f32 v14, v15;
	v16 =	vadd.f32 v16, v15  }
0xea: {  	v19 =	vld.idx.msk [tilespmem:v8+s17+$0x0], $0xffff;
	v2 =	vshll.u32 v12, $0x10;
	v12 =	vand.u32 $0xFFFF0000, v12  }
0xeb: {  	v8 =	vld.idx.msk [tilespmem:v3+s17+$0x0], $0xffff;
	v2 =	vadd.f32 v2, v14;
	v12 =	vadd.f32 v12, v16  }
0xec: {  	v4 =	vld.idx.msk [tilespmem:v5+s2+$0x0], $0xffff;
	v3 =	vshll.u32 v13, $0x10;
	v13 =	vand.u32 $0xFFFF0000, v13  }
0xed: {  	v6 =	vld.idx.msk [tilespmem:v6+s17+$0x0], $0xffff;
	v2 =	vadd.f32 v3, v2;
	v3 =	vadd.f32 v13, v12  }
0xee: {  	v5 =	vld.idx.msk [tilespmem:v5+s17+$0x0], $0xffff;
	v12 =	vshll.u32 v11, $0x10;
	v11 =	vand.u32 $0xFFFF0000, v11  }
0xef: {  	v7 =	vld.idx.msk [tilespmem:v7+s17+$0x0], $0xffff;
	v13 =	vshll.u32 v17, $0x10;
	v2 =	vadd.f32 v12, v2;
	v3 =	vadd.f32 v11, v3  }
0xf0: {  	v9 =	vld.idx.msk [tilespmem:v9+s17+$0x0], $0xffff;
	v14 =	vand.u32 $0xFFFF0000, v17;
	v11 =	vadd.f32 v18, v15;
	v12 =	vadd.f32 v13, v15  }
0xf1: {  	s31 =	sshll.u32 s29, $0x4;
	s0 =	simm.s32 $0x0;
	s1 =	sadd.s32 $0x400, s30;
	v10 =	vld.idx.msk [tilespmem:v10+s17+$0x0], $0xffff;
	v14 =	vadd.f32 v14, v15;
	v13 =	vadd.f32 v19, v15;
	v15 =	vshll.u32 v4, $0x10  }
.LBB2_15:
0xf2: {  	v16 =	vld [tilespmem:s1+$0xFFFFFE00];
	v8 =	vadd.f32 v8, v11;
	v4 =	vand.u32 $0xFFFF0000, v4;
	v11 =	vadd.f32 v15, v12  }
0xf3: {  	v12 =	vshll.u32 v1, $0x10;
	v15 =	vld [tilespmem:s1+$0x100];
	v4 =	vadd.f32 v4, v14;
	v5 =	vadd.f32 v5, v13  }
0xf4: {  	v1 =	vand.u32 $0xFFFF0000, v1;
	v13 =	vld [tilespmem:s1+$0xFFFFFF00];
	v6 =	vadd.f32 v6, v8;
	v8 =	vadd.f32 v12, v11  }
0xf5: {  	v17 =	vld [tilespmem:s1+$0x180];
	v1 =	vadd.f32 v1, v4;
	v4 =	vadd.f32 v7, v5;
	v5 =	vshll.u32 v0, $0x10  }
0xf6: {  	v0 =	vand.u32 $0xFFFF0000, v0;
	v7 =	vld [tilespmem:s1+$0x0];
	v9 =	vadd.f32 v9, v6;
	v12 =	vadd.f32 v5, v8  }
0xf7: {  	v11 =	vld [tilespmem:s1+$0x80];
	v14 =	vadd.f32 v0, v1;
	v10 =	vadd.f32 v10, v4  }
0xf8: {  	v5 =	vld [tilespmem:s1+$0xFFFFFF80]  }
0xf9: {  	v6 =	vld [tilespmem:s1+$0xFFFFFE80]  }
0xfa: {  	s0 =	sadd.s32 $0x8, s0;
	v4 =	vld.idx.msk [tilespmem:v16+s2+$0x0], $0xffff  }
0xfb: {  	p0 =	slt.u32 s0, $0xC0;
	v18 =	vld.idx.msk [tilespmem:v15+s2+$0x0], $0xffff  }
0xfc: {  	v8 =	vld.idx.msk [tilespmem:v13+s2+$0x0], $0xffff  }
0xfd: {  	v0 =	vld.idx.msk [tilespmem:v17+s2+$0x0], $0xffff  }
0xfe: {  	v19 =	vld.idx.msk [tilespmem:v7+s2+$0x0], $0xffff  }
0xff: {  	v1 =	vld.idx.msk [tilespmem:v11+s2+$0x0], $0xffff  }
0x100: {  	v20 =	vshll.u32 v4, $0x10;
	v21 =	vand.u32 $0xFFFF0000, v4;
	v4 =	vld.idx.msk [tilespmem:v5+s2+$0x0], $0xffff  }
0x101: {  	v2 =	vadd.f32 v20, v2;
	v3 =	vadd.f32 v21, v3;
	v20 =	vld.idx.msk [tilespmem:v6+s2+$0x0], $0xffff  }
0x102: {  	v21 =	vshll.u32 v8, $0x10;
	v8 =	vand.u32 $0xFFFF0000, v8;
	v16 =	vld.idx.msk [tilespmem:v16+s17+$0x0], $0xffff  }
0x103: {  	v2 =	vadd.f32 v21, v2;
	v3 =	vadd.f32 v8, v3;
	v22 =	vld.idx.msk [tilespmem:v6+s17+$0x0], $0xffff  }
0x104: {  	v6 =	vshll.u32 v19, $0x10;
	v8 =	vld.idx.msk [tilespmem:v13+s17+$0x0], $0xffff;
	v13 =	vand.u32 $0xFFFF0000, v19  }
.Ltmp6:
0x105: {  	v2 =	vadd.f32 v6, v2;
	v5 =	vld.idx.msk [tilespmem:v5+s17+$0x0], $0xffff;
	v3 =	vadd.f32 v13, v3;
	(pc) =	sbr.rel @p0 .LBB2_15-.Ltmp6, $4  }
0x106: {  	v13 =	vshll.u32 v18, $0x10;
	v18 =	vand.u32 $0xFFFF0000, v18;
	v6 =	vld.idx.msk [tilespmem:v7+s17+$0x0], $0xffff  }
0x107: {  	v19 =	vshll.u32 v20, $0x10;
	v2 =	vadd.f32 v13, v2;
	v7 =	vld.idx.msk [tilespmem:v11+s17+$0x0], $0xffff;
	v3 =	vadd.f32 v18, v3  }
0x108: {  	v13 =	vand.u32 $0xFFFF0000, v20;
	v11 =	vadd.f32 v16, v9;
	v12 =	vadd.f32 v19, v12;
	v9 =	vld.idx.msk [tilespmem:v15+s17+$0x0], $0xffff  }
0x109: {  	s1 =	sadd.s32 $0x400, s1;
	v14 =	vadd.f32 v13, v14;
	v13 =	vadd.f32 v22, v10;
	v15 =	vshll.u32 v4, $0x10;
	v10 =	vld.idx.msk [tilespmem:v17+s17+$0x0], $0xffff  }
0x10a: {  	v4 =	vand.u32 $0xFFFF0000, v4;
	v12 =	vadd.f32 v15, v12  }
0x10b: {  	v8 =	vadd.f32 v8, v11;
	v59 =	vshll.u32 v1, $0x10;
	v4 =	vadd.f32 v4, v14  }
0x10c: {  	v60 =	vand.u32 $0xFFFF0000, v1;
	v5 =	vadd.f32 v5, v13;
	v11 =	vadd.f32 v59, v12  }
0x10d: {  	v61 =	vshll.u32 v0, $0x10;
	v6 =	vadd.f32 v6, v8;
	v1 =	vadd.f32 v60, v4  }
0x10e: {  	v62 =	vand.u32 $0xFFFF0000, v0;
	s29 =	sadd.s32 $0x1, s29;
	v5 =	vadd.f32 v7, v5;
	v4 =	vadd.f32 v61, v11  }
0x10f: {  	p0 =	sne.s32 s29, $0x8;
	v6 =	vadd.f32 v9, v6;
	v0 =	vadd.f32 v62, v1  }
.Ltmp7:
0x110: {  	v63 =	vadd.f32 v10, v5;
	v2 =	vadd.f32 v4, v2;
	(pc) =	sbr.rel @p0 .LBB2_14-.Ltmp7, $4  }
0x111: {  	v0 =	vadd.f32 v0, v3  }
0x112: {  	v1 =	vadd.f32 v63, v6;
	[tilespmem:s31+$0x1B980] =	vst v2  }
0x113: {  	[tilespmem:s31+$0x1BB80] =	vst v0  }
0x114: {  	s30 =	sadd.s32 $0x10, s30;
	[tilespmem:s31+$0x1BD80] =	vst v1  }
0x115: {  	[hbm4b:s9+s21] =	stream.strided.scatter [tilespmem:s23], [sflag:$0x4], $0x200, s22, s21, $0x38;
	[tilespmem:$0x1BE00] =	vst v63  }
0x116: {  	_ =	swait.ge [sflag:s24], $0x200  }
0x117: {  	[sflag:s24] =	ssyncset.done $0x0  }
0x118: {  	[sflag:s24] =	ssyncadd.s32 $0xFFFFFE00  }
0x119: {  	[hbm4b:s10+s21] =	stream.strided.scatter [tilespmem:s25], [sflag:$0x4], $0x200, s22, s21, $0x38;
	[tilespmem:$0x1BE00] =	vst v63  }
0x11a: {  	s28 =	sadd.s32 $0x1, s28;
	_ =	swait.ge [sflag:s24], $0x200  }
0x11b: {  	p0 =	sne.s32 s28, s12;
	[sflag:s24] =	ssyncset.done $0x0  }
.Ltmp8:
0x11c: {  	[sflag:s24] =	ssyncadd.s32 $0xFFFFFE00;
	(pc) =	sbr.rel @p0 .LBB2_1-.Ltmp8, $4  }
0x11d: {  	[hbm4b:s11+s21] =	stream.strided.scatter [tilespmem:s26], [sflag:$0x4], $0x200, s22, s21, $0x38;
	[tilespmem:$0x1BE00] =	vst v63  }
0x11e: {  	_ =	swait.ge [sflag:s24], $0x200  }
0x11f: {  	[sflag:s24] =	ssyncset.done $0x0  }
0x120: {  	[sflag:s24] =	ssyncadd.s32 $0xFFFFFE00  }
0x121: {  	_ =	sfence.sel $0x180000  }
0x122: {  	[bflag:$0x0] =	sbarrier.arrive $0xFFFF  }
0x123: {  	_ =	strace $0x90000047  }
0x124: {  	s0 =	stileid.u32;
	[bflag:$0x2] =	sbarrier.arrive $0xFFFF  }
0x125: {  	p0 =	sne.s32 s0, $0x0;
	s0 =	rddreg [dreg:$0x3]  }
0x126: {  	s0 =	sadd.s32 @!p0 $0x100000, s0  }
0x127: {  	[sflag:s0] =	ssyncadd.tile.s32 @!p0 $0x1;
	_ =	shalt  }
.Lfunc_end2:
_tile_overlayer_lowered:
.L_overlay_start_2:
0x128: {  	(tag) =	ssettag $0x2  }
0x129: {  	s0 =	rddreg [dreg:$0x0];
	s2 =	stileid.u32  }
0x12a: {  	s1 =	rddreg [dreg:$0x1];
	p0 =	sne.s32 s2, $0x0  }
0x12b: {  	s3 =	rddreg [dreg:$0x2];
	[bflag:$0x3] =	sbarrier.arrive $0xFFFF;
	s2 =	simm.s32 @!p0 $0x1C04  }
0x12c: {  	[timem:s3], [sflag:s2] =	dma.local @!p0 [hbm:s0], s1  }
0x12d: {  	s0 =	simm.s32 @!p0 $0x4  }
0x12e: {  	_ =	swait.ge @!p0 [sflag:s0], s1  }
0x12f: {  	s1 =	ssub.s32 @!p0 $0x0, s1;
	[sflag:s0] =	ssyncset.done @!p0 $0x0  }
0x130: {  	[sflag:s0] =	ssyncadd.s32 @!p0 s1  }
0x131: {  	[bflag:$0x3] =	sbarrier.arrive $0xFFFF  }
0x132: {  	_ =	shalt  }

</sc_bundles>
